<compile_context>
chip_gen: v7x
topology: tpu7x:2x2x1
jax: 0.10.2.dev20260603
libtpu: 0.0.44.dev20260713+nightly
codegen_flags: <defaults>
</compile_context>

<pallas_src>
import functools

import jax
import jax.numpy as jnp
from jax import lax
from jax.experimental import pallas as pl
from jax.experimental.pallas import tpu as pltpu
from jax.experimental.pallas import tpu_sc as plsc

N = 10000
E = 320000
D = 128
NC = 2
NS = 16
NW = NC * NS
CHUNK = 128
NCHUNK = 79
E_PAD = NW * CHUNK * NCHUNK
N_ACC = 10240
ZROWS = 16
RPS_ACC = N_ACC // NS
BLK = 1000

_sc_mesh = functools.partial(
    plsc.VectorSubcoreMesh, core_axis_name="c", subcore_axis_name="s"
)


def _degree_sc(dst_r):
    @functools.partial(
        pl.kernel,
        mesh=_sc_mesh(),
        out_type=jax.ShapeDtypeStruct((NC, N_ACC, D), jnp.float32),
        scratch_types=[
            pltpu.VMEM((NCHUNK, CHUNK), jnp.int32),
            pltpu.VMEM((CHUNK, D), jnp.float32),
            pltpu.VMEM((ZROWS, D), jnp.float32),
            pltpu.VMEM_SHARED((N_ACC, D), jnp.float32),
        ],
    )
    def k(dst_hbm, out_hbm, idx_v, ones_v, z_v, acc_sh):
        c = lax.axis_index("c")
        s = lax.axis_index("s")
        wid = c * NS + s

        @pl.loop(0, CHUNK)
        def _(i):
            for kk in range(D // 16):
                ones_v[i, pl.ds(kk * 16, 16)] = jnp.ones((16,), jnp.float32)

        @pl.loop(0, ZROWS)
        def _(i):
            for kk in range(D // 16):
                z_v[i, pl.ds(kk * 16, 16)] = jnp.zeros((16,), jnp.float32)

        @pl.loop(0, RPS_ACC // ZROWS)
        def _(i):
            pltpu.sync_copy(
                z_v, acc_sh.at[pl.ds(s * RPS_ACC + i * ZROWS, ZROWS)]
            )

        pltpu.sync_copy(dst_hbm.at[wid], idx_v)
        plsc.subcore_barrier()

        @pl.loop(0, NCHUNK)
        def _(j):
            pltpu.sync_copy(ones_v, acc_sh.at[idx_v.at[j]], add=True)

        plsc.subcore_barrier()
        sl = pl.ds(s * RPS_ACC, RPS_ACC)
        pltpu.sync_copy(acc_sh.at[sl], out_hbm.at[c].at[sl])

    return k(dst_r)


NBUF = 2
DH = D // 2
RPS_TAB = N_ACC // NS
NSTG = 2
CPS = NCHUNK // NSTG


def _edge_aggregate_sc(table, src_r, dst_r):
    @functools.partial(
        pl.kernel,
        mesh=_sc_mesh(),
        out_type=jax.ShapeDtypeStruct((NC, N_ACC, D), jnp.float32),
        scratch_types=[
            pltpu.VMEM((NCHUNK, CHUNK), jnp.int32),
            pltpu.VMEM((NCHUNK, CHUNK), jnp.int32),
            pltpu.VMEM((CHUNK, D), jnp.float32),
            pltpu.VMEM((ZROWS, D), jnp.float32),
            pltpu.VMEM_SHARED((N_ACC, D), jnp.float32),
            pltpu.SemaphoreType.DMA,
        ],
    )
    def k(tab_hbm, src_hbm, dst_hbm, out_hbm, si_v, di_v, rows_v, z_v,
          acc_sh, sem):
        c = lax.axis_index("c")
        s = lax.axis_index("s")
        wid = c * NS + s

        @pl.loop(0, ZROWS)
        def _(i):
            for kk in range(D // 16):
                z_v[i, pl.ds(kk * 16, 16)] = jnp.zeros((16,), jnp.float32)

        @pl.loop(0, RPS_ACC // ZROWS)
        def _(i):
            pltpu.sync_copy(
                z_v, acc_sh.at[pl.ds(s * RPS_ACC + i * ZROWS, ZROWS)]
            )

        pltpu.sync_copy(src_hbm.at[wid], si_v)
        pltpu.sync_copy(dst_hbm.at[wid], di_v)
        plsc.subcore_barrier()

        @pl.loop(0, NCHUNK)
        def _(j):
            pltpu.async_copy(tab_hbm.at[si_v.at[j]], rows_v, sem).wait()
            pltpu.sync_copy(rows_v, acc_sh.at[di_v.at[j]], add=True)

        plsc.subcore_barrier()
        sl = pl.ds(s * RPS_ACC, RPS_ACC)
        pltpu.sync_copy(acc_sh.at[sl], out_hbm.at[c].at[sl])

    return k(table, src_r, dst_r)


def _row_spec():
    return pl.BlockSpec((BLK, D), lambda i: (i, 0))


def _full_spec(shape):
    nd = len(shape)
    return pl.BlockSpec(shape, lambda i: (0,) * nd)


def _deg_spec():
    return pl.BlockSpec((NC, BLK, D), lambda i: (0, i, 0))


def _acc_spec():
    return pl.BlockSpec((NC, BLK, D), lambda i: (0, i, 0))


def _dinv_block(degp):
    deg = degp[0, :, 0] + degp[1, :, 0] + 1.0
    return lax.rsqrt(deg)[:, None]


def _mm_body(x_ref, w1_ref, wfc_ref, bfc_ref, h1_ref, res_ref):
    xb = x_ref[...]
    h1_ref[...] = jnp.dot(xb, w1_ref[...], preferred_element_type=jnp.float32)
    res_ref[...] = (
        jnp.dot(xb, wfc_ref[...], preferred_element_type=jnp.float32)
        + bfc_ref[...]
    )


def _mm_tc(x, W1, Wfc, bfc):
    out_sh = jax.ShapeDtypeStruct((N, D), jnp.float32)
    return pl.pallas_call(
        _mm_body,
        grid=(N // BLK,),
        in_specs=[
            _row_spec(),
            _full_spec((D, D)),
            _full_spec((D, D)),
            _full_spec((D,)),
        ],
        out_specs=[_row_spec(), _row_spec()],
        out_shape=[out_sh, out_sh],
    )(x, W1, Wfc, bfc)


def _scale_body(h_ref, degp_ref, hp_ref):
    hp_ref[...] = h_ref[...] * _dinv_block(degp_ref[...])


def _scale_tc(h, degp):
    return pl.pallas_call(
        _scale_body,
        grid=(N // BLK,),
        in_specs=[_row_spec(), _deg_spec()],
        out_specs=_row_spec(),
        out_shape=jax.ShapeDtypeStruct((N, D), jnp.float32),
    )(h, degp)


def _mid_body(acc_ref, hp1_ref, degp_ref, b1_ref, w2_ref, hp2_ref):
    dinv = _dinv_block(degp_ref[...])
    acc = acc_ref[...]
    h1 = jax.nn.relu(
        dinv * (acc[0] + acc[1] + hp1_ref[...]) + b1_ref[...]
    )
    hp2_ref[...] = dinv * jnp.dot(
        h1, w2_ref[...], preferred_element_type=jnp.float32
    )


def _mid_tc(acc1, hp1, degp, b1, W2):
    return pl.pallas_call(
        _mid_body,
        grid=(N // BLK,),
        in_specs=[
            _acc_spec(),
            _row_spec(),
            _deg_spec(),
            _full_spec((D,)),
            _full_spec((D, D)),
        ],
        out_specs=_row_spec(),
        out_shape=jax.ShapeDtypeStruct((N, D), jnp.float32),
    )(acc1, hp1, degp, b1, W2)


def _post_body(acc_ref, hp2_ref, degp_ref, b2_ref, res_ref, out_ref):
    dinv = _dinv_block(degp_ref[...])
    acc = acc_ref[...]
    out_ref[...] = jax.nn.relu(
        dinv * (acc[0] + acc[1] + hp2_ref[...]) + b2_ref[...] + res_ref[...]
    )


def _post_tc(acc2, hp2, degp, b2, res):
    return pl.pallas_call(
        _post_body,
        grid=(N // BLK,),
        in_specs=[
            _acc_spec(),
            _row_spec(),
            _deg_spec(),
            _full_spec((D,)),
            _row_spec(),
        ],
        out_specs=_row_spec(),
        out_shape=jax.ShapeDtypeStruct((N, D), jnp.float32),
    )(acc2, hp2, degp, b2, res)


def kernel(x, edge_index, W1, b1, W2, b2, Wfc, bfc):
    pad = E_PAD - E
    pad_src = jnp.arange(pad, dtype=jnp.int32) % N
    src = jnp.concatenate(
        [edge_index[0].astype(jnp.int32), pad_src]
    ).reshape(NW, NCHUNK, CHUNK)
    pad_dst = N + jnp.arange(pad, dtype=jnp.int32) % (N_ACC - N)
    dst = jnp.concatenate(
        [edge_index[1].astype(jnp.int32), pad_dst]
    ).reshape(NW, NCHUNK, CHUNK)

    degp = _degree_sc(dst)
    h1, res = _mm_tc(x, W1, Wfc, bfc)
    hp1 = _scale_tc(h1, degp)
    acc1 = _edge_aggregate_sc(hp1, src, dst)
    hp2 = _mid_tc(acc1, hp1, degp, b1, W2)
    acc2 = _edge_aggregate_sc(hp2, src, dst)
    return _post_tc(acc2, hp2, degp, b2, res)

# --- scband reference (transcript-rebuilt; emitter-appended) ---
"""Pipeline reference for scband-gcn-20985210208434 (READ-ONLY COPY).

The authoritative reference and input builder live on the scoring server;
editing this copy changes nothing except your own understanding.
"""

import jax, jax.numpy as jnp
import numpy as np

N_NODES = 10000
N_EDGES = 320000
D_IN = 128
D_HID = 128
D_OUT = 128


def setup_inputs(seed: int = 0) -> dict:
    key = jax.random.key(seed)
    ks = jax.random.split(key, 10)
    x = jax.random.normal(ks[0], (N_NODES, D_IN), dtype=jnp.float32)
    edge_index = jax.random.randint(ks[1], (2, N_EDGES), 0, N_NODES, dtype=jnp.int64 if jax.config.jax_enable_x64 else jnp.int32).astype(jnp.int32)
    s1 = 1.0 / np.sqrt(D_IN)
    s2 = 1.0 / np.sqrt(D_HID)
    W1 = jax.random.uniform(ks[2], (D_IN, D_HID), dtype=jnp.float32, minval=-s1, maxval=s1)
    b1 = jnp.zeros((D_HID,), dtype=jnp.float32)
    W2 = jax.random.uniform(ks[3], (D_HID, D_OUT), dtype=jnp.float32, minval=-s2, maxval=s2)
    b2 = jnp.zeros((D_OUT,), dtype=jnp.float32)
    Wfc = jax.random.uniform(ks[4], (D_IN, D_OUT), dtype=jnp.float32, minval=-s1, maxval=s1)
    bfc = jax.random.uniform(ks[5], (D_OUT,), dtype=jnp.float32, minval=-s1, maxval=s1)
    return {"x": x, "edge_index": edge_index, "W1": W1, "b1": b1, "W2": W2, "b2": b2, "Wfc": Wfc, "bfc": bfc}


def _gcn_conv(x, edge_index, W, b, num_nodes):
    # PyG GCNConv: add self-loops, symmetric normalization, linear transform, scatter-add aggregate
    src = edge_index[0]
    dst = edge_index[1]
    loop = jnp.arange(num_nodes, dtype=src.dtype)
    src = jnp.concatenate([src, loop])
    dst = jnp.concatenate([dst, loop])
    deg = jnp.zeros((num_nodes,), dtype=x.dtype).at[dst].add(1.0)
    dinv = jnp.where(deg > 0, deg ** -0.5, 0.0)
    norm = dinv[src] * dinv[dst]
    h = x @ W
    msg = h[src] * norm[:, None]
    out = jax.ops.segment_sum(msg, dst, num_segments=num_nodes)
    return out + b


def reference(x, edge_index, W1, b1, W2, b2, Wfc, bfc):
    # forward of GCN module (eval mode: dropout is identity)
    res = x @ Wfc + bfc
    h = _gcn_conv(x, edge_index, W1, b1, N_NODES)
    h = jax.nn.relu(h)
    out = _gcn_conv(h, edge_index, W2, b2, N_NODES)
    return jax.nn.relu(out + res)

if __name__ == "__main__":
    import jax
    _d = setup_inputs()
    print(jax.jit(kernel)(*tuple(_d.values())))

</pallas_src>

<mosaic_0001>
#map = affine_map<(d0, d1) -> (0, 0, 0)>
module attributes {stable_mosaic.version = 14 : i64} {
  func.func @k(%arg0: i32, %arg1: i32, %arg2: memref<32x79x128xi32, #tpu.memory_space<hbm>>, %arg3: memref<2x10240x128xf32, #tpu.memory_space<hbm>>, %arg4: memref<79x128xi32, #tpu.memory_space<vmem>>, %arg5: memref<128x128xf32, #tpu.memory_space<vmem>>, %arg6: memref<16x128xf32, #tpu.memory_space<vmem>>, %arg7: memref<10240x128xf32, #tpu.memory_space<vmem_shared>>) attributes {dimension_semantics = [#tpu.dimension_semantics<core_parallel>, #tpu.dimension_semantics<subcore_parallel>], iteration_bounds = array<i64: 2, 16>, scalar_prefetch = 0 : i64, scratch_operands = 4 : i64, tpu.core_type = #tpu.core_type<sc_vector_subcore>, window_params = [{transform_indices = #map}, {transform_indices = #map}]} {
    %mul3A = arith.constant 16 : i32
    %mul3A_0 = arith.muli %arg0, %mul3A : i32
    %add3A = arith.addi %mul3A_0, %arg1 : i32
    %scan3A = arith.constant 0 : i32
    %scan3A_1 = arith.constant 128 : i32
    %scan3A_2 = arith.addi %scan3A, %scan3A_1 : i32
    %scan3A_3 = arith.constant 1 : i32
    scf.for %scan3A_23 = %scan3A to %scan3A_2 step %scan3A_3  : i32 {
      %mul3A_24 = arith.constant 1 : i32
      %mul3A_25 = arith.muli %scan3A_23, %mul3A_24 : i32
      %add3A_26 = arith.constant 0 : i32
      %add3A_27 = arith.addi %add3A_26, %mul3A_25 : i32
      %broadcast_in_dim3A = arith.constant 1.000000e+00 : f32
      %broadcast_in_dim3A_28 = vector.broadcast %broadcast_in_dim3A : f32 to vector<16xf32>
      %swap3A = arith.index_cast %add3A_27 : i32 to index
      %swap3A_29 = arith.constant 0 : index
      %swap3A_30 = tpu.vector_load %arg5[%swap3A, %swap3A_29] {strides = array<i32>} : memref<128x128xf32, #tpu.memory_space<vmem>>, vector<1x16xf32>,
      %swap3A_31 = vector.shape_cast %swap3A_30 : vector<1x16xf32> to vector<16xf32>
      %swap3A_32 = vector.shape_cast %broadcast_in_dim3A_28 : vector<16xf32> to vector<1x16xf32>
      tpu.vector_store %arg5[%swap3A, %swap3A_29], %swap3A_32 {strides = array<i32>} : memref<128x128xf32, #tpu.memory_space<vmem>>, vector<1x16xf32>,
      %broadcast_in_dim3A_33 = arith.constant 1.000000e+00 : f32
      %broadcast_in_dim3A_34 = vector.broadcast %broadcast_in_dim3A_33 : f32 to vector<16xf32>
      %swap3A_35 = arith.index_cast %add3A_27 : i32 to index
      %swap3A_36 = arith.constant 16 : index
      %swap3A_37 = tpu.vector_load %arg5[%swap3A_35, %swap3A_36] {strides = array<i32>} : memref<128x128xf32, #tpu.memory_space<vmem>>, vector<1x16xf32>,
      %swap3A_38 = vector.shape_cast %swap3A_37 : vector<1x16xf32> to vector<16xf32>
      %swap3A_39 = vector.shape_cast %broadcast_in_dim3A_34 : vector<16xf32> to vector<1x16xf32>
      tpu.vector_store %arg5[%swap3A_35, %swap3A_36], %swap3A_39 {strides = array<i32>} : memref<128x128xf32, #tpu.memory_space<vmem>>, vector<1x16xf32>,
      %broadcast_in_dim3A_40 = arith.constant 1.000000e+00 : f32
      %broadcast_in_dim3A_41 = vector.broadcast %broadcast_in_dim3A_40 : f32 to vector<16xf32>
      %swap3A_42 = arith.index_cast %add3A_27 : i32 to index
      %swap3A_43 = arith.constant 32 : index
      %swap3A_44 = tpu.vector_load %arg5[%swap3A_42, %swap3A_43] {strides = array<i32>} : memref<128x128xf32, #tpu.memory_space<vmem>>, vector<1x16xf32>,
      %swap3A_45 = vector.shape_cast %swap3A_44 : vector<1x16xf32> to vector<16xf32>
      %swap3A_46 = vector.shape_cast %broadcast_in_dim3A_41 : vector<16xf32> to vector<1x16xf32>
      tpu.vector_store %arg5[%swap3A_42, %swap3A_43], %swap3A_46 {strides = array<i32>} : memref<128x128xf32, #tpu.memory_space<vmem>>, vector<1x16xf32>,
      %broadcast_in_dim3A_47 = arith.constant 1.000000e+00 : f32
      %broadcast_in_dim3A_48 = vector.broadcast %broadcast_in_dim3A_47 : f32 to vector<16xf32>
      %swap3A_49 = arith.index_cast %add3A_27 : i32 to index
      %swap3A_50 = arith.constant 48 : index
      %swap3A_51 = tpu.vector_load %arg5[%swap3A_49, %swap3A_50] {strides = array<i32>} : memref<128x128xf32, #tpu.memory_space<vmem>>, vector<1x16xf32>,
      %swap3A_52 = vector.shape_cast %swap3A_51 : vector<1x16xf32> to vector<16xf32>
      %swap3A_53 = vector.shape_cast %broadcast_in_dim3A_48 : vector<16xf32> to vector<1x16xf32>
      tpu.vector_store %arg5[%swap3A_49, %swap3A_50], %swap3A_53 {strides = array<i32>} : memref<128x128xf32, #tpu.memory_space<vmem>>, vector<1x16xf32>,
      %broadcast_in_dim3A_54 = arith.constant 1.000000e+00 : f32
      %broadcast_in_dim3A_55 = vector.broadcast %broadcast_in_dim3A_54 : f32 to vector<16xf32>
      %swap3A_56 = arith.index_cast %add3A_27 : i32 to index
      %swap3A_57 = arith.constant 64 : index
      %swap3A_58 = tpu.vector_load %arg5[%swap3A_56, %swap3A_57] {strides = array<i32>} : memref<128x128xf32, #tpu.memory_space<vmem>>, vector<1x16xf32>,
      %swap3A_59 = vector.shape_cast %swap3A_58 : vector<1x16xf32> to vector<16xf32>
      %swap3A_60 = vector.shape_cast %broadcast_in_dim3A_55 : vector<16xf32> to vector<1x16xf32>
      tpu.vector_store %arg5[%swap3A_56, %swap3A_57], %swap3A_60 {strides = array<i32>} : memref<128x128xf32, #tpu.memory_space<vmem>>, vector<1x16xf32>,
      %broadcast_in_dim3A_61 = arith.constant 1.000000e+00 : f32
      %broadcast_in_dim3A_62 = vector.broadcast %broadcast_in_dim3A_61 : f32 to vector<16xf32>
      %swap3A_63 = arith.index_cast %add3A_27 : i32 to index
      %swap3A_64 = arith.constant 80 : index
      %swap3A_65 = tpu.vector_load %arg5[%swap3A_63, %swap3A_64] {strides = array<i32>} : memref<128x128xf32, #tpu.memory_space<vmem>>, vector<1x16xf32>,
      %swap3A_66 = vector.shape_cast %swap3A_65 : vector<1x16xf32> to vector<16xf32>
      %swap3A_67 = vector.shape_cast %broadcast_in_dim3A_62 : vector<16xf32> to vector<1x16xf32>
      tpu.vector_store %arg5[%swap3A_63, %swap3A_64], %swap3A_67 {strides = array<i32>} : memref<128x128xf32, #tpu.memory_space<vmem>>, vector<1x16xf32>,
      %broadcast_in_dim3A_68 = arith.constant 1.000000e+00 : f32
      %broadcast_in_dim3A_69 = vector.broadcast %broadcast_in_dim3A_68 : f32 to vector<16xf32>
      %swap3A_70 = arith.index_cast %add3A_27 : i32 to index
      %swap3A_71 = arith.constant 96 : index
      %swap3A_72 = tpu.vector_load %arg5[%swap3A_70, %swap3A_71] {strides = array<i32>} : memref<128x128xf32, #tpu.memory_space<vmem>>, vector<1x16xf32>,
      %swap3A_73 = vector.shape_cast %swap3A_72 : vector<1x16xf32> to vector<16xf32>
      %swap3A_74 = vector.shape_cast %broadcast_in_dim3A_69 : vector<16xf32> to vector<1x16xf32>
      tpu.vector_store %arg5[%swap3A_70, %swap3A_71], %swap3A_74 {strides = array<i32>} : memref<128x128xf32, #tpu.memory_space<vmem>>, vector<1x16xf32>,
      %broadcast_in_dim3A_75 = arith.constant 1.000000e+00 : f32
      %broadcast_in_dim3A_76 = vector.broadcast %broadcast_in_dim3A_75 : f32 to vector<16xf32>
      %swap3A_77 = arith.index_cast %add3A_27 : i32 to index
      %swap3A_78 = arith.constant 112 : index
      %swap3A_79 = tpu.vector_load %arg5[%swap3A_77, %swap3A_78] {strides = array<i32>} : memref<128x128xf32, #tpu.memory_space<vmem>>, vector<1x16xf32>,
      %swap3A_80 = vector.shape_cast %swap3A_79 : vector<1x16xf32> to vector<16xf32>
      %swap3A_81 = vector.shape_cast %broadcast_in_dim3A_76 : vector<16xf32> to vector<1x16xf32>
      tpu.vector_store %arg5[%swap3A_77, %swap3A_78], %swap3A_81 {strides = array<i32>} : memref<128x128xf32, #tpu.memory_space<vmem>>, vector<1x16xf32>,
    }
    %scan3A_4 = arith.constant 128 : i32
    %scan3A_5 = arith.constant 0 : i32
    %scan3A_6 = arith.constant 16 : i32
    %scan3A_7 = arith.addi %scan3A_5, %scan3A_6 : i32
    %scan3A_8 = arith.constant 1 : i32
    scf.for %scan3A_23 = %scan3A_5 to %scan3A_7 step %scan3A_8  : i32 {
      %mul3A_24 = arith.constant 1 : i32
      %mul3A_25 = arith.muli %scan3A_23, %mul3A_24 : i32
      %add3A_26 = arith.constant 0 : i32
      %add3A_27 = arith.addi %add3A_26, %mul3A_25 : i32
      %broadcast_in_dim3A = arith.constant 0.000000e+00 : f32
      %broadcast_in_dim3A_28 = vector.broadcast %broadcast_in_dim3A : f32 to vector<16xf32>
      %swap3A = arith.index_cast %add3A_27 : i32 to index
      %swap3A_29 = arith.constant 0 : index
      %swap3A_30 = tpu.vector_load %arg6[%swap3A, %swap3A_29] {strides = array<i32>} : memref<16x128xf32, #tpu.memory_space<vmem>>, vector<1x16xf32>,
      %swap3A_31 = vector.shape_cast %swap3A_30 : vector<1x16xf32> to vector<16xf32>
      %swap3A_32 = vector.shape_cast %broadcast_in_dim3A_28 : vector<16xf32> to vector<1x16xf32>
      tpu.vector_store %arg6[%swap3A, %swap3A_29], %swap3A_32 {strides = array<i32>} : memref<16x128xf32, #tpu.memory_space<vmem>>, vector<1x16xf32>,
      %broadcast_in_dim3A_33 = arith.constant 0.000000e+00 : f32
      %broadcast_in_dim3A_34 = vector.broadcast %broadcast_in_dim3A_33 : f32 to vector<16xf32>
      %swap3A_35 = arith.index_cast %add3A_27 : i32 to index
      %swap3A_36 = arith.constant 16 : index
      %swap3A_37 = tpu.vector_load %arg6[%swap3A_35, %swap3A_36] {strides = array<i32>} : memref<16x128xf32, #tpu.memory_space<vmem>>, vector<1x16xf32>,
      %swap3A_38 = vector.shape_cast %swap3A_37 : vector<1x16xf32> to vector<16xf32>
      %swap3A_39 = vector.shape_cast %broadcast_in_dim3A_34 : vector<16xf32> to vector<1x16xf32>
      tpu.vector_store %arg6[%swap3A_35, %swap3A_36], %swap3A_39 {strides = array<i32>} : memref<16x128xf32, #tpu.memory_space<vmem>>, vector<1x16xf32>,
      %broadcast_in_dim3A_40 = arith.constant 0.000000e+00 : f32
      %broadcast_in_dim3A_41 = vector.broadcast %broadcast_in_dim3A_40 : f32 to vector<16xf32>
      %swap3A_42 = arith.index_cast %add3A_27 : i32 to index
      %swap3A_43 = arith.constant 32 : index
      %swap3A_44 = tpu.vector_load %arg6[%swap3A_42, %swap3A_43] {strides = array<i32>} : memref<16x128xf32, #tpu.memory_space<vmem>>, vector<1x16xf32>,
      %swap3A_45 = vector.shape_cast %swap3A_44 : vector<1x16xf32> to vector<16xf32>
      %swap3A_46 = vector.shape_cast %broadcast_in_dim3A_41 : vector<16xf32> to vector<1x16xf32>
      tpu.vector_store %arg6[%swap3A_42, %swap3A_43], %swap3A_46 {strides = array<i32>} : memref<16x128xf32, #tpu.memory_space<vmem>>, vector<1x16xf32>,
      %broadcast_in_dim3A_47 = arith.constant 0.000000e+00 : f32
      %broadcast_in_dim3A_48 = vector.broadcast %broadcast_in_dim3A_47 : f32 to vector<16xf32>
      %swap3A_49 = arith.index_cast %add3A_27 : i32 to index
      %swap3A_50 = arith.constant 48 : index
      %swap3A_51 = tpu.vector_load %arg6[%swap3A_49, %swap3A_50] {strides = array<i32>} : memref<16x128xf32, #tpu.memory_space<vmem>>, vector<1x16xf32>,
      %swap3A_52 = vector.shape_cast %swap3A_51 : vector<1x16xf32> to vector<16xf32>
      %swap3A_53 = vector.shape_cast %broadcast_in_dim3A_48 : vector<16xf32> to vector<1x16xf32>
      tpu.vector_store %arg6[%swap3A_49, %swap3A_50], %swap3A_53 {strides = array<i32>} : memref<16x128xf32, #tpu.memory_space<vmem>>, vector<1x16xf32>,
      %broadcast_in_dim3A_54 = arith.constant 0.000000e+00 : f32
      %broadcast_in_dim3A_55 = vector.broadcast %broadcast_in_dim3A_54 : f32 to vector<16xf32>
      %swap3A_56 = arith.index_cast %add3A_27 : i32 to index
      %swap3A_57 = arith.constant 64 : index
      %swap3A_58 = tpu.vector_load %arg6[%swap3A_56, %swap3A_57] {strides = array<i32>} : memref<16x128xf32, #tpu.memory_space<vmem>>, vector<1x16xf32>,
      %swap3A_59 = vector.shape_cast %swap3A_58 : vector<1x16xf32> to vector<16xf32>
      %swap3A_60 = vector.shape_cast %broadcast_in_dim3A_55 : vector<16xf32> to vector<1x16xf32>
      tpu.vector_store %arg6[%swap3A_56, %swap3A_57], %swap3A_60 {strides = array<i32>} : memref<16x128xf32, #tpu.memory_space<vmem>>, vector<1x16xf32>,
      %broadcast_in_dim3A_61 = arith.constant 0.000000e+00 : f32
      %broadcast_in_dim3A_62 = vector.broadcast %broadcast_in_dim3A_61 : f32 to vector<16xf32>
      %swap3A_63 = arith.index_cast %add3A_27 : i32 to index
      %swap3A_64 = arith.constant 80 : index
      %swap3A_65 = tpu.vector_load %arg6[%swap3A_63, %swap3A_64] {strides = array<i32>} : memref<16x128xf32, #tpu.memory_space<vmem>>, vector<1x16xf32>,
      %swap3A_66 = vector.shape_cast %swap3A_65 : vector<1x16xf32> to vector<16xf32>
      %swap3A_67 = vector.shape_cast %broadcast_in_dim3A_62 : vector<16xf32> to vector<1x16xf32>
      tpu.vector_store %arg6[%swap3A_63, %swap3A_64], %swap3A_67 {strides = array<i32>} : memref<16x128xf32, #tpu.memory_space<vmem>>, vector<1x16xf32>,
      %broadcast_in_dim3A_68 = arith.constant 0.000000e+00 : f32
      %broadcast_in_dim3A_69 = vector.broadcast %broadcast_in_dim3A_68 : f32 to vector<16xf32>
      %swap3A_70 = arith.index_cast %add3A_27 : i32 to index
      %swap3A_71 = arith.constant 96 : index
      %swap3A_72 = tpu.vector_load %arg6[%swap3A_70, %swap3A_71] {strides = array<i32>} : memref<16x128xf32, #tpu.memory_space<vmem>>, vector<1x16xf32>,
      %swap3A_73 = vector.shape_cast %swap3A_72 : vector<1x16xf32> to vector<16xf32>
      %swap3A_74 = vector.shape_cast %broadcast_in_dim3A_69 : vector<16xf32> to vector<1x16xf32>
      tpu.vector_store %arg6[%swap3A_70, %swap3A_71], %swap3A_74 {strides = array<i32>} : memref<16x128xf32, #tpu.memory_space<vmem>>, vector<1x16xf32>,
      %broadcast_in_dim3A_75 = arith.constant 0.000000e+00 : f32
      %broadcast_in_dim3A_76 = vector.broadcast %broadcast_in_dim3A_75 : f32 to vector<16xf32>
      %swap3A_77 = arith.index_cast %add3A_27 : i32 to index
      %swap3A_78 = arith.constant 112 : index
      %swap3A_79 = tpu.vector_load %arg6[%swap3A_77, %swap3A_78] {strides = array<i32>} : memref<16x128xf32, #tpu.memory_space<vmem>>, vector<1x16xf32>,
      %swap3A_80 = vector.shape_cast %swap3A_79 : vector<1x16xf32> to vector<16xf32>
      %swap3A_81 = vector.shape_cast %broadcast_in_dim3A_76 : vector<16xf32> to vector<1x16xf32>
      tpu.vector_store %arg6[%swap3A_77, %swap3A_78], %swap3A_81 {strides = array<i32>} : memref<16x128xf32, #tpu.memory_space<vmem>>, vector<1x16xf32>,
    }
    %scan3A_9 = arith.constant 16 : i32
    %scan3A_10 = arith.constant 0 : i32
    %scan3A_11 = arith.constant 40 : i32
    %scan3A_12 = arith.addi %scan3A_10, %scan3A_11 : i32
    %scan3A_13 = arith.constant 1 : i32
    scf.for %scan3A_23 = %scan3A_10 to %scan3A_12 step %scan3A_13  : i32 {
      %mul3A_24 = arith.constant 1 : i32
      %mul3A_25 = arith.muli %scan3A_23, %mul3A_24 : i32
      %add3A_26 = arith.constant 0 : i32
      %add3A_27 = arith.addi %add3A_26, %mul3A_25 : i32
      %mul3A_28 = arith.constant 640 : i32
      %mul3A_29 = arith.muli %arg1, %mul3A_28 : i32
      %mul3A_30 = arith.constant 16 : i32
      %mul3A_31 = arith.muli %add3A_27, %mul3A_30 : i32
      %add3A_32 = arith.addi %mul3A_29, %mul3A_31 : i32
      "tpu.region"() ({
        %run_scoped3A = tpu.sem_alloc : memref<!tpu.dma_semaphore, #tpu.memory_space<semaphore_mem>>
        %dma_start3A = arith.constant 0 : i32
        %dma_start3A_33 = tpu.memref_slice %arg7[%add3A_32, %dma_start3A] : memref<10240x128xf32, #tpu.memory_space<vmem_shared>> -> memref<16x128xf32, #tpu.memory_space<vmem_shared>>
        %dma_start3A_34 = arith.constant 0 : i32
        %dma_start3A_35 = tpu.memref_slice %arg7[%add3A_32, %dma_start3A_34] : memref<10240x128xf32, #tpu.memory_space<vmem_shared>> -> memref<16x128xf32, #tpu.memory_space<vmem_shared>>
        tpu.enqueue_dma source(%arg6 : memref<16x128xf32, #tpu.memory_space<vmem>>) target(%dma_start3A_35 : memref<16x128xf32, #tpu.memory_space<vmem_shared>>) target_semaphore(%run_scoped3A : memref<!tpu.dma_semaphore, #tpu.memory_space<semaphore_mem>>)
        %dma_wait3A = arith.constant 0 : i32
        %dma_wait3A_36 = tpu.memref_slice %arg7[%add3A_32, %dma_wait3A] : memref<10240x128xf32, #tpu.memory_space<vmem_shared>> -> memref<16x128xf32, #tpu.memory_space<vmem_shared>>
        %dma_wait3A_37 = arith.constant 0 : i32
        %dma_wait3A_38 = tpu.memref_slice %arg7[%add3A_32, %dma_wait3A_37] : memref<10240x128xf32, #tpu.memory_space<vmem_shared>> -> memref<16x128xf32, #tpu.memory_space<vmem_shared>>
        tpu.wait_dma2 semaphore(%run_scoped3A : memref<!tpu.dma_semaphore, #tpu.memory_space<semaphore_mem>>) src(%arg6 : memref<16x128xf32, #tpu.memory_space<vmem>>) dst(%dma_wait3A_38 : memref<16x128xf32, #tpu.memory_space<vmem_shared>>)
        tpu.yield
      }) : () -> ()
    }
    %scan3A_14 = arith.constant 40 : i32
    "tpu.region"() ({
      %run_scoped3A = tpu.sem_alloc : memref<!tpu.dma_semaphore, #tpu.memory_space<semaphore_mem>>
      %dma_start3A = arith.constant 0 : i32
      %dma_start3A_23 = arith.constant 0 : i32
      %dma_start3A_24 = tpu.memref_slice %arg2[%add3A, %dma_start3A, %dma_start3A_23] : memref<32x79x128xi32, #tpu.memory_space<hbm>> -> memref<1x79x128xi32, #tpu.memory_space<hbm>>
      %dma_start3A_25 = tpu.memref_squeeze %dma_start3A_24 : memref<1x79x128xi32, #tpu.memory_space<hbm>> -> memref<79x128xi32, #tpu.memory_space<hbm>>
      %dma_start3A_26 = arith.constant 0 : i32
      %dma_start3A_27 = arith.constant 0 : i32
      %dma_start3A_28 = tpu.memref_slice %arg2[%add3A, %dma_start3A_26, %dma_start3A_27] : memref<32x79x128xi32, #tpu.memory_space<hbm>> -> memref<1x79x128xi32, #tpu.memory_space<hbm>>
      %dma_start3A_29 = tpu.memref_squeeze %dma_start3A_28 : memref<1x79x128xi32, #tpu.memory_space<hbm>> -> memref<79x128xi32, #tpu.memory_space<hbm>>
      tpu.enqueue_dma source(%dma_start3A_29 : memref<79x128xi32, #tpu.memory_space<hbm>>) target(%arg4 : memref<79x128xi32, #tpu.memory_space<vmem>>) target_semaphore(%run_scoped3A : memref<!tpu.dma_semaphore, #tpu.memory_space<semaphore_mem>>)
      %dma_wait3A = arith.constant 0 : i32
      %dma_wait3A_30 = arith.constant 0 : i32
      %dma_wait3A_31 = tpu.memref_slice %arg2[%add3A, %dma_wait3A, %dma_wait3A_30] : memref<32x79x128xi32, #tpu.memory_space<hbm>> -> memref<1x79x128xi32, #tpu.memory_space<hbm>>
      %dma_wait3A_32 = tpu.memref_squeeze %dma_wait3A_31 : memref<1x79x128xi32, #tpu.memory_space<hbm>> -> memref<79x128xi32, #tpu.memory_space<hbm>>
      %dma_wait3A_33 = arith.constant 0 : i32
      %dma_wait3A_34 = arith.constant 0 : i32
      %dma_wait3A_35 = tpu.memref_slice %arg2[%add3A, %dma_wait3A_33, %dma_wait3A_34] : memref<32x79x128xi32, #tpu.memory_space<hbm>> -> memref<1x79x128xi32, #tpu.memory_space<hbm>>
      %dma_wait3A_36 = tpu.memref_squeeze %dma_wait3A_35 : memref<1x79x128xi32, #tpu.memory_space<hbm>> -> memref<79x128xi32, #tpu.memory_space<hbm>>
      tpu.wait_dma2 semaphore(%run_scoped3A : memref<!tpu.dma_semaphore, #tpu.memory_space<semaphore_mem>>) src(%dma_wait3A_36 : memref<79x128xi32, #tpu.memory_space<hbm>>) dst(%arg4 : memref<79x128xi32, #tpu.memory_space<vmem>>)
      tpu.yield
    }) : () -> ()
    %barrier3A = arith.constant 0 : index
    tpu.barrier barrier_id(%barrier3A)
    %scan3A_15 = arith.constant 0 : i32
    %scan3A_16 = arith.constant 79 : i32
    %scan3A_17 = arith.addi %scan3A_15, %scan3A_16 : i32
    %scan3A_18 = arith.constant 1 : i32
    scf.for %scan3A_23 = %scan3A_15 to %scan3A_17 step %scan3A_18  : i32 {
      %mul3A_24 = arith.constant 1 : i32
      %mul3A_25 = arith.muli %scan3A_23, %mul3A_24 : i32
      %add3A_26 = arith.constant 0 : i32
      %add3A_27 = arith.addi %add3A_26, %mul3A_25 : i32
      "tpu.region"() ({
        %run_scoped3A = tpu.sem_alloc : memref<!tpu.dma_semaphore, #tpu.memory_space<semaphore_mem>>
        %dma_start3A = arith.constant 0 : i32
        %dma_start3A_28 = tpu.memref_slice %arg4[%add3A_27, %dma_start3A] : memref<79x128xi32, #tpu.memory_space<vmem>> -> memref<1x128xi32, #tpu.memory_space<vmem>>
        %dma_start3A_29 = tpu.memref_squeeze %dma_start3A_28 : memref<1x128xi32, #tpu.memory_space<vmem>> -> memref<128xi32, #tpu.memory_space<vmem>>
        %dma_start3A_30 = arith.constant 0 : i32
        %dma_start3A_31 = arith.constant 0 : i32
        %dma_start3A_32 = tpu.memref_slice %arg7[%dma_start3A_30, %dma_start3A_31] : memref<10240x128xf32, #tpu.memory_space<vmem_shared>> -> memref<10240x128xf32, #tpu.memory_space<vmem_shared>>
        tpu.enqueue_indirect_dma source(%arg5 : memref<128x128xf32, #tpu.memory_space<vmem>>) target(%dma_start3A_32 : memref<10240x128xf32, #tpu.memory_space<vmem_shared>>) offsets(%dma_start3A_29 : memref<128xi32, #tpu.memory_space<vmem>>) semaphore(%run_scoped3A : memref<!tpu.dma_semaphore, #tpu.memory_space<semaphore_mem>>) {add = true}
        %dma_wait3A = arith.constant 0 : i32
        %dma_wait3A_33 = tpu.memref_slice %arg4[%add3A_27, %dma_wait3A] : memref<79x128xi32, #tpu.memory_space<vmem>> -> memref<1x128xi32, #tpu.memory_space<vmem>>
        %dma_wait3A_34 = tpu.memref_squeeze %dma_wait3A_33 : memref<1x128xi32, #tpu.memory_space<vmem>> -> memref<128xi32, #tpu.memory_space<vmem>>
        %dma_wait3A_35 = arith.constant 0 : i32
        %dma_wait3A_36 = arith.constant 0 : i32
        %dma_wait3A_37 = tpu.memref_slice %arg7[%dma_wait3A_35, %dma_wait3A_36] : memref<10240x128xf32, #tpu.memory_space<vmem_shared>> -> memref<10240x128xf32, #tpu.memory_space<vmem_shared>>
        tpu.wait_indirect_dma semaphore(%run_scoped3A : memref<!tpu.dma_semaphore, #tpu.memory_space<semaphore_mem>>) src(%arg5 : memref<128x128xf32, #tpu.memory_space<vmem>>) dst(%dma_wait3A_37 : memref<10240x128xf32, #tpu.memory_space<vmem_shared>>)
        tpu.yield
      }) : () -> ()
    }
    %scan3A_19 = arith.constant 79 : i32
    %barrier3A_20 = arith.constant 0 : index
    tpu.barrier barrier_id(%barrier3A_20)
    %mul3A_21 = arith.constant 640 : i32
    %mul3A_22 = arith.muli %arg1, %mul3A_21 : i32
    "tpu.region"() ({
      %run_scoped3A = tpu.sem_alloc : memref<!tpu.dma_semaphore, #tpu.memory_space<semaphore_mem>>
      %dma_start3A = arith.constant 0 : i32
      %dma_start3A_23 = arith.constant 0 : i32
      %dma_start3A_24 = tpu.memref_slice %arg3[%arg0, %dma_start3A, %dma_start3A_23] : memref<2x10240x128xf32, #tpu.memory_space<hbm>> -> memref<1x10240x128xf32, #tpu.memory_space<hbm>>
      %dma_start3A_25 = tpu.memref_squeeze %dma_start3A_24 : memref<1x10240x128xf32, #tpu.memory_space<hbm>> -> memref<10240x128xf32, #tpu.memory_space<hbm>>
      %dma_start3A_26 = arith.constant 0 : i32
      %dma_start3A_27 = tpu.memref_slice %dma_start3A_25[%mul3A_22, %dma_start3A_26] : memref<10240x128xf32, #tpu.memory_space<hbm>> -> memref<640x128xf32, #tpu.memory_space<hbm>>
      %dma_start3A_28 = arith.constant 0 : i32
      %dma_start3A_29 = tpu.memref_slice %arg7[%mul3A_22, %dma_start3A_28] : memref<10240x128xf32, #tpu.memory_space<vmem_shared>> -> memref<640x128xf32, #tpu.memory_space<vmem_shared>>
      tpu.enqueue_dma source(%dma_start3A_29 : memref<640x128xf32, #tpu.memory_space<vmem_shared>>) target(%dma_start3A_27 : memref<640x128xf32, #tpu.memory_space<hbm>>) target_semaphore(%run_scoped3A : memref<!tpu.dma_semaphore, #tpu.memory_space<semaphore_mem>>)
      %dma_wait3A = arith.constant 0 : i32
      %dma_wait3A_30 = arith.constant 0 : i32
      %dma_wait3A_31 = tpu.memref_slice %arg3[%arg0, %dma_wait3A, %dma_wait3A_30] : memref<2x10240x128xf32, #tpu.memory_space<hbm>> -> memref<1x10240x128xf32, #tpu.memory_space<hbm>>
      %dma_wait3A_32 = tpu.memref_squeeze %dma_wait3A_31 : memref<1x10240x128xf32, #tpu.memory_space<hbm>> -> memref<10240x128xf32, #tpu.memory_space<hbm>>
      %dma_wait3A_33 = arith.constant 0 : i32
      %dma_wait3A_34 = tpu.memref_slice %dma_wait3A_32[%mul3A_22, %dma_wait3A_33] : memref<10240x128xf32, #tpu.memory_space<hbm>> -> memref<640x128xf32, #tpu.memory_space<hbm>>
      %dma_wait3A_35 = arith.constant 0 : i32
      %dma_wait3A_36 = tpu.memref_slice %arg7[%mul3A_22, %dma_wait3A_35] : memref<10240x128xf32, #tpu.memory_space<vmem_shared>> -> memref<640x128xf32, #tpu.memory_space<vmem_shared>>
      tpu.wait_dma2 semaphore(%run_scoped3A : memref<!tpu.dma_semaphore, #tpu.memory_space<semaphore_mem>>) src(%dma_wait3A_36 : memref<640x128xf32, #tpu.memory_space<vmem_shared>>) dst(%dma_wait3A_34 : memref<640x128xf32, #tpu.memory_space<hbm>>)
      tpu.yield
    }) : () -> ()
    return
  }
}

#map = affine_map<(d0, d1) -> (0, 0)>
#map1 = affine_map<(d0, d1) -> (0, 0, 0)>
module attributes {stable_mosaic.version = 14 : i64} {
  func.func @k(%arg0: i32, %arg1: i32, %arg2: memref<10000x128xf32, #tpu.memory_space<hbm>>, %arg3: memref<32x79x128xi32, #tpu.memory_space<hbm>>, %arg4: memref<32x79x128xi32, #tpu.memory_space<hbm>>, %arg5: memref<2x10240x128xf32, #tpu.memory_space<hbm>>, %arg6: memref<79x128xi32, #tpu.memory_space<vmem>>, %arg7: memref<79x128xi32, #tpu.memory_space<vmem>>, %arg8: memref<128x128xf32, #tpu.memory_space<vmem>>, %arg9: memref<16x128xf32, #tpu.memory_space<vmem>>, %arg10: memref<10240x128xf32, #tpu.memory_space<vmem_shared>>, %arg11: memref<!tpu.dma_semaphore, #tpu.memory_space<semaphore_mem>>) attributes {dimension_semantics = [#tpu.dimension_semantics<core_parallel>, #tpu.dimension_semantics<subcore_parallel>], iteration_bounds = array<i64: 2, 16>, scalar_prefetch = 0 : i64, scratch_operands = 6 : i64, tpu.core_type = #tpu.core_type<sc_vector_subcore>, window_params = [{transform_indices = #map}, {transform_indices = #map1}, {transform_indices = #map1}, {transform_indices = #map1}]} {
    %mul3A = arith.constant 16 : i32
    %mul3A_0 = arith.muli %arg0, %mul3A : i32
    %add3A = arith.addi %mul3A_0, %arg1 : i32
    %scan3A = arith.constant 0 : i32
    %scan3A_1 = arith.constant 16 : i32
    %scan3A_2 = arith.addi %scan3A, %scan3A_1 : i32
    %scan3A_3 = arith.constant 1 : i32
    scf.for %scan3A_18 = %scan3A to %scan3A_2 step %scan3A_3  : i32 {
      %mul3A_19 = arith.constant 1 : i32
      %mul3A_20 = arith.muli %scan3A_18, %mul3A_19 : i32
      %add3A_21 = arith.constant 0 : i32
      %add3A_22 = arith.addi %add3A_21, %mul3A_20 : i32
      %broadcast_in_dim3A = arith.constant 0.000000e+00 : f32
      %broadcast_in_dim3A_23 = vector.broadcast %broadcast_in_dim3A : f32 to vector<16xf32>
      %swap3A = arith.index_cast %add3A_22 : i32 to index
      %swap3A_24 = arith.constant 0 : index
      %swap3A_25 = tpu.vector_load %arg9[%swap3A, %swap3A_24] {strides = array<i32>} : memref<16x128xf32, #tpu.memory_space<vmem>>, vector<1x16xf32>,
      %swap3A_26 = vector.shape_cast %swap3A_25 : vector<1x16xf32> to vector<16xf32>
      %swap3A_27 = vector.shape_cast %broadcast_in_dim3A_23 : vector<16xf32> to vector<1x16xf32>
      tpu.vector_store %arg9[%swap3A, %swap3A_24], %swap3A_27 {strides = array<i32>} : memref<16x128xf32, #tpu.memory_space<vmem>>, vector<1x16xf32>,
      %broadcast_in_dim3A_28 = arith.constant 0.000000e+00 : f32
      %broadcast_in_dim3A_29 = vector.broadcast %broadcast_in_dim3A_28 : f32 to vector<16xf32>
      %swap3A_30 = arith.index_cast %add3A_22 : i32 to index
      %swap3A_31 = arith.constant 16 : index
      %swap3A_32 = tpu.vector_load %arg9[%swap3A_30, %swap3A_31] {strides = array<i32>} : memref<16x128xf32, #tpu.memory_space<vmem>>, vector<1x16xf32>,
      %swap3A_33 = vector.shape_cast %swap3A_32 : vector<1x16xf32> to vector<16xf32>
      %swap3A_34 = vector.shape_cast %broadcast_in_dim3A_29 : vector<16xf32> to vector<1x16xf32>
      tpu.vector_store %arg9[%swap3A_30, %swap3A_31], %swap3A_34 {strides = array<i32>} : memref<16x128xf32, #tpu.memory_space<vmem>>, vector<1x16xf32>,
      %broadcast_in_dim3A_35 = arith.constant 0.000000e+00 : f32
      %broadcast_in_dim3A_36 = vector.broadcast %broadcast_in_dim3A_35 : f32 to vector<16xf32>
      %swap3A_37 = arith.index_cast %add3A_22 : i32 to index
      %swap3A_38 = arith.constant 32 : index
      %swap3A_39 = tpu.vector_load %arg9[%swap3A_37, %swap3A_38] {strides = array<i32>} : memref<16x128xf32, #tpu.memory_space<vmem>>, vector<1x16xf32>,
      %swap3A_40 = vector.shape_cast %swap3A_39 : vector<1x16xf32> to vector<16xf32>
      %swap3A_41 = vector.shape_cast %broadcast_in_dim3A_36 : vector<16xf32> to vector<1x16xf32>
      tpu.vector_store %arg9[%swap3A_37, %swap3A_38], %swap3A_41 {strides = array<i32>} : memref<16x128xf32, #tpu.memory_space<vmem>>, vector<1x16xf32>,
      %broadcast_in_dim3A_42 = arith.constant 0.000000e+00 : f32
      %broadcast_in_dim3A_43 = vector.broadcast %broadcast_in_dim3A_42 : f32 to vector<16xf32>
      %swap3A_44 = arith.index_cast %add3A_22 : i32 to index
      %swap3A_45 = arith.constant 48 : index
      %swap3A_46 = tpu.vector_load %arg9[%swap3A_44, %swap3A_45] {strides = array<i32>} : memref<16x128xf32, #tpu.memory_space<vmem>>, vector<1x16xf32>,
      %swap3A_47 = vector.shape_cast %swap3A_46 : vector<1x16xf32> to vector<16xf32>
      %swap3A_48 = vector.shape_cast %broadcast_in_dim3A_43 : vector<16xf32> to vector<1x16xf32>
      tpu.vector_store %arg9[%swap3A_44, %swap3A_45], %swap3A_48 {strides = array<i32>} : memref<16x128xf32, #tpu.memory_space<vmem>>, vector<1x16xf32>,
      %broadcast_in_dim3A_49 = arith.constant 0.000000e+00 : f32
      %broadcast_in_dim3A_50 = vector.broadcast %broadcast_in_dim3A_49 : f32 to vector<16xf32>
      %swap3A_51 = arith.index_cast %add3A_22 : i32 to index
      %swap3A_52 = arith.constant 64 : index
      %swap3A_53 = tpu.vector_load %arg9[%swap3A_51, %swap3A_52] {strides = array<i32>} : memref<16x128xf32, #tpu.memory_space<vmem>>, vector<1x16xf32>,
      %swap3A_54 = vector.shape_cast %swap3A_53 : vector<1x16xf32> to vector<16xf32>
      %swap3A_55 = vector.shape_cast %broadcast_in_dim3A_50 : vector<16xf32> to vector<1x16xf32>
      tpu.vector_store %arg9[%swap3A_51, %swap3A_52], %swap3A_55 {strides = array<i32>} : memref<16x128xf32, #tpu.memory_space<vmem>>, vector<1x16xf32>,
      %broadcast_in_dim3A_56 = arith.constant 0.000000e+00 : f32
      %broadcast_in_dim3A_57 = vector.broadcast %broadcast_in_dim3A_56 : f32 to vector<16xf32>
      %swap3A_58 = arith.index_cast %add3A_22 : i32 to index
      %swap3A_59 = arith.constant 80 : index
      %swap3A_60 = tpu.vector_load %arg9[%swap3A_58, %swap3A_59] {strides = array<i32>} : memref<16x128xf32, #tpu.memory_space<vmem>>, vector<1x16xf32>,
      %swap3A_61 = vector.shape_cast %swap3A_60 : vector<1x16xf32> to vector<16xf32>
      %swap3A_62 = vector.shape_cast %broadcast_in_dim3A_57 : vector<16xf32> to vector<1x16xf32>
      tpu.vector_store %arg9[%swap3A_58, %swap3A_59], %swap3A_62 {strides = array<i32>} : memref<16x128xf32, #tpu.memory_space<vmem>>, vector<1x16xf32>,
      %broadcast_in_dim3A_63 = arith.constant 0.000000e+00 : f32
      %broadcast_in_dim3A_64 = vector.broadcast %broadcast_in_dim3A_63 : f32 to vector<16xf32>
      %swap3A_65 = arith.index_cast %add3A_22 : i32 to index
      %swap3A_66 = arith.constant 96 : index
      %swap3A_67 = tpu.vector_load %arg9[%swap3A_65, %swap3A_66] {strides = array<i32>} : memref<16x128xf32, #tpu.memory_space<vmem>>, vector<1x16xf32>,
      %swap3A_68 = vector.shape_cast %swap3A_67 : vector<1x16xf32> to vector<16xf32>
      %swap3A_69 = vector.shape_cast %broadcast_in_dim3A_64 : vector<16xf32> to vector<1x16xf32>
      tpu.vector_store %arg9[%swap3A_65, %swap3A_66], %swap3A_69 {strides = array<i32>} : memref<16x128xf32, #tpu.memory_space<vmem>>, vector<1x16xf32>,
      %broadcast_in_dim3A_70 = arith.constant 0.000000e+00 : f32
      %broadcast_in_dim3A_71 = vector.broadcast %broadcast_in_dim3A_70 : f32 to vector<16xf32>
      %swap3A_72 = arith.index_cast %add3A_22 : i32 to index
      %swap3A_73 = arith.constant 112 : index
      %swap3A_74 = tpu.vector_load %arg9[%swap3A_72, %swap3A_73] {strides = array<i32>} : memref<16x128xf32, #tpu.memory_space<vmem>>, vector<1x16xf32>,
      %swap3A_75 = vector.shape_cast %swap3A_74 : vector<1x16xf32> to vector<16xf32>
      %swap3A_76 = vector.shape_cast %broadcast_in_dim3A_71 : vector<16xf32> to vector<1x16xf32>
      tpu.vector_store %arg9[%swap3A_72, %swap3A_73], %swap3A_76 {strides = array<i32>} : memref<16x128xf32, #tpu.memory_space<vmem>>, vector<1x16xf32>,
    }
    %scan3A_4 = arith.constant 16 : i32
    %scan3A_5 = arith.constant 0 : i32
    %scan3A_6 = arith.constant 40 : i32
    %scan3A_7 = arith.addi %scan3A_5, %scan3A_6 : i32
    %scan3A_8 = arith.constant 1 : i32
    scf.for %scan3A_18 = %scan3A_5 to %scan3A_7 step %scan3A_8  : i32 {
      %mul3A_19 = arith.constant 1 : i32
      %mul3A_20 = arith.muli %scan3A_18, %mul3A_19 : i32
      %add3A_21 = arith.constant 0 : i32
      %add3A_22 = arith.addi %add3A_21, %mul3A_20 : i32
      %mul3A_23 = arith.constant 640 : i32
      %mul3A_24 = arith.muli %arg1, %mul3A_23 : i32
      %mul3A_25 = arith.constant 16 : i32
      %mul3A_26 = arith.muli %add3A_22, %mul3A_25 : i32
      %add3A_27 = arith.addi %mul3A_24, %mul3A_26 : i32
      "tpu.region"() ({
        %run_scoped3A = tpu.sem_alloc : memref<!tpu.dma_semaphore, #tpu.memory_space<semaphore_mem>>
        %dma_start3A = arith.constant 0 : i32
        %dma_start3A_28 = tpu.memref_slice %arg10[%add3A_27, %dma_start3A] : memref<10240x128xf32, #tpu.memory_space<vmem_shared>> -> memref<16x128xf32, #tpu.memory_space<vmem_shared>>
        %dma_start3A_29 = arith.constant 0 : i32
        %dma_start3A_30 = tpu.memref_slice %arg10[%add3A_27, %dma_start3A_29] : memref<10240x128xf32, #tpu.memory_space<vmem_shared>> -> memref<16x128xf32, #tpu.memory_space<vmem_shared>>
        tpu.enqueue_dma source(%arg9 : memref<16x128xf32, #tpu.memory_space<vmem>>) target(%dma_start3A_30 : memref<16x128xf32, #tpu.memory_space<vmem_shared>>) target_semaphore(%run_scoped3A : memref<!tpu.dma_semaphore, #tpu.memory_space<semaphore_mem>>)
        %dma_wait3A = arith.constant 0 : i32
        %dma_wait3A_31 = tpu.memref_slice %arg10[%add3A_27, %dma_wait3A] : memref<10240x128xf32, #tpu.memory_space<vmem_shared>> -> memref<16x128xf32, #tpu.memory_space<vmem_shared>>
        %dma_wait3A_32 = arith.constant 0 : i32
        %dma_wait3A_33 = tpu.memref_slice %arg10[%add3A_27, %dma_wait3A_32] : memref<10240x128xf32, #tpu.memory_space<vmem_shared>> -> memref<16x128xf32, #tpu.memory_space<vmem_shared>>
        tpu.wait_dma2 semaphore(%run_scoped3A : memref<!tpu.dma_semaphore, #tpu.memory_space<semaphore_mem>>) src(%arg9 : memref<16x128xf32, #tpu.memory_space<vmem>>) dst(%dma_wait3A_33 : memref<16x128xf32, #tpu.memory_space<vmem_shared>>)
        tpu.yield
      }) : () -> ()
    }
    %scan3A_9 = arith.constant 40 : i32
    "tpu.region"() ({
      %run_scoped3A = tpu.sem_alloc : memref<!tpu.dma_semaphore, #tpu.memory_space<semaphore_mem>>
      %dma_start3A = arith.constant 0 : i32
      %dma_start3A_18 = arith.constant 0 : i32
      %dma_start3A_19 = tpu.memref_slice %arg3[%add3A, %dma_start3A, %dma_start3A_18] : memref<32x79x128xi32, #tpu.memory_space<hbm>> -> memref<1x79x128xi32, #tpu.memory_space<hbm>>
      %dma_start3A_20 = tpu.memref_squeeze %dma_start3A_19 : memref<1x79x128xi32, #tpu.memory_space<hbm>> -> memref<79x128xi32, #tpu.memory_space<hbm>>
      %dma_start3A_21 = arith.constant 0 : i32
      %dma_start3A_22 = arith.constant 0 : i32
      %dma_start3A_23 = tpu.memref_slice %arg3[%add3A, %dma_start3A_21, %dma_start3A_22] : memref<32x79x128xi32, #tpu.memory_space<hbm>> -> memref<1x79x128xi32, #tpu.memory_space<hbm>>
      %dma_start3A_24 = tpu.memref_squeeze %dma_start3A_23 : memref<1x79x128xi32, #tpu.memory_space<hbm>> -> memref<79x128xi32, #tpu.memory_space<hbm>>
      tpu.enqueue_dma source(%dma_start3A_24 : memref<79x128xi32, #tpu.memory_space<hbm>>) target(%arg6 : memref<79x128xi32, #tpu.memory_space<vmem>>) target_semaphore(%run_scoped3A : memref<!tpu.dma_semaphore, #tpu.memory_space<semaphore_mem>>)
      %dma_wait3A = arith.constant 0 : i32
      %dma_wait3A_25 = arith.constant 0 : i32
      %dma_wait3A_26 = tpu.memref_slice %arg3[%add3A, %dma_wait3A, %dma_wait3A_25] : memref<32x79x128xi32, #tpu.memory_space<hbm>> -> memref<1x79x128xi32, #tpu.memory_space<hbm>>
      %dma_wait3A_27 = tpu.memref_squeeze %dma_wait3A_26 : memref<1x79x128xi32, #tpu.memory_space<hbm>> -> memref<79x128xi32, #tpu.memory_space<hbm>>
      %dma_wait3A_28 = arith.constant 0 : i32
      %dma_wait3A_29 = arith.constant 0 : i32
      %dma_wait3A_30 = tpu.memref_slice %arg3[%add3A, %dma_wait3A_28, %dma_wait3A_29] : memref<32x79x128xi32, #tpu.memory_space<hbm>> -> memref<1x79x128xi32, #tpu.memory_space<hbm>>
      %dma_wait3A_31 = tpu.memref_squeeze %dma_wait3A_30 : memref<1x79x128xi32, #tpu.memory_space<hbm>> -> memref<79x128xi32, #tpu.memory_space<hbm>>
      tpu.wait_dma2 semaphore(%run_scoped3A : memref<!tpu.dma_semaphore, #tpu.memory_space<semaphore_mem>>) src(%dma_wait3A_31 : memref<79x128xi32, #tpu.memory_space<hbm>>) dst(%arg6 : memref<79x128xi32, #tpu.memory_space<vmem>>)
      tpu.yield
    }) : () -> ()
    "tpu.region"() ({
      %run_scoped3A = tpu.sem_alloc : memref<!tpu.dma_semaphore, #tpu.memory_space<semaphore_mem>>
      %dma_start3A = arith.constant 0 : i32
      %dma_start3A_18 = arith.constant 0 : i32
      %dma_start3A_19 = tpu.memref_slice %arg4[%add3A, %dma_start3A, %dma_start3A_18] : memref<32x79x128xi32, #tpu.memory_space<hbm>> -> memref<1x79x128xi32, #tpu.memory_space<hbm>>
      %dma_start3A_20 = tpu.memref_squeeze %dma_start3A_19 : memref<1x79x128xi32, #tpu.memory_space<hbm>> -> memref<79x128xi32, #tpu.memory_space<hbm>>
      %dma_start3A_21 = arith.constant 0 : i32
      %dma_start3A_22 = arith.constant 0 : i32
      %dma_start3A_23 = tpu.memref_slice %arg4[%add3A, %dma_start3A_21, %dma_start3A_22] : memref<32x79x128xi32, #tpu.memory_space<hbm>> -> memref<1x79x128xi32, #tpu.memory_space<hbm>>
      %dma_start3A_24 = tpu.memref_squeeze %dma_start3A_23 : memref<1x79x128xi32, #tpu.memory_space<hbm>> -> memref<79x128xi32, #tpu.memory_space<hbm>>
      tpu.enqueue_dma source(%dma_start3A_24 : memref<79x128xi32, #tpu.memory_space<hbm>>) target(%arg7 : memref<79x128xi32, #tpu.memory_space<vmem>>) target_semaphore(%run_scoped3A : memref<!tpu.dma_semaphore, #tpu.memory_space<semaphore_mem>>)
      %dma_wait3A = arith.constant 0 : i32
      %dma_wait3A_25 = arith.constant 0 : i32
      %dma_wait3A_26 = tpu.memref_slice %arg4[%add3A, %dma_wait3A, %dma_wait3A_25] : memref<32x79x128xi32, #tpu.memory_space<hbm>> -> memref<1x79x128xi32, #tpu.memory_space<hbm>>
      %dma_wait3A_27 = tpu.memref_squeeze %dma_wait3A_26 : memref<1x79x128xi32, #tpu.memory_space<hbm>> -> memref<79x128xi32, #tpu.memory_space<hbm>>
      %dma_wait3A_28 = arith.constant 0 : i32
      %dma_wait3A_29 = arith.constant 0 : i32
      %dma_wait3A_30 = tpu.memref_slice %arg4[%add3A, %dma_wait3A_28, %dma_wait3A_29] : memref<32x79x128xi32, #tpu.memory_space<hbm>> -> memref<1x79x128xi32, #tpu.memory_space<hbm>>
      %dma_wait3A_31 = tpu.memref_squeeze %dma_wait3A_30 : memref<1x79x128xi32, #tpu.memory_space<hbm>> -> memref<79x128xi32, #tpu.memory_space<hbm>>
      tpu.wait_dma2 semaphore(%run_scoped3A : memref<!tpu.dma_semaphore, #tpu.memory_space<semaphore_mem>>) src(%dma_wait3A_31 : memref<79x128xi32, #tpu.memory_space<hbm>>) dst(%arg7 : memref<79x128xi32, #tpu.memory_space<vmem>>)
      tpu.yield
    }) : () -> ()
    %barrier3A = arith.constant 0 : index
    tpu.barrier barrier_id(%barrier3A)
    %scan3A_10 = arith.constant 0 : i32
    %scan3A_11 = arith.constant 79 : i32
    %scan3A_12 = arith.addi %scan3A_10, %scan3A_11 : i32
    %scan3A_13 = arith.constant 1 : i32
    scf.for %scan3A_18 = %scan3A_10 to %scan3A_12 step %scan3A_13  : i32 {
      %mul3A_19 = arith.constant 1 : i32
      %mul3A_20 = arith.muli %scan3A_18, %mul3A_19 : i32
      %add3A_21 = arith.constant 0 : i32
      %add3A_22 = arith.addi %add3A_21, %mul3A_20 : i32
      %dma_start3A = arith.constant 0 : i32
      %dma_start3A_23 = tpu.memref_slice %arg6[%add3A_22, %dma_start3A] : memref<79x128xi32, #tpu.memory_space<vmem>> -> memref<1x128xi32, #tpu.memory_space<vmem>>
      %dma_start3A_24 = tpu.memref_squeeze %dma_start3A_23 : memref<1x128xi32, #tpu.memory_space<vmem>> -> memref<128xi32, #tpu.memory_space<vmem>>
      %dma_start3A_25 = arith.constant 0 : i32
      %dma_start3A_26 = arith.constant 0 : i32
      %dma_start3A_27 = tpu.memref_slice %arg2[%dma_start3A_25, %dma_start3A_26] : memref<10000x128xf32, #tpu.memory_space<hbm>> -> memref<10000x128xf32, #tpu.memory_space<hbm>>
      tpu.enqueue_indirect_dma source(%dma_start3A_27 : memref<10000x128xf32, #tpu.memory_space<hbm>>) target(%arg8 : memref<128x128xf32, #tpu.memory_space<vmem>>) offsets(%dma_start3A_24 : memref<128xi32, #tpu.memory_space<vmem>>) semaphore(%arg11 : memref<!tpu.dma_semaphore, #tpu.memory_space<semaphore_mem>>)
      %dma_wait3A = arith.constant 0 : i32
      %dma_wait3A_28 = tpu.memref_slice %arg6[%add3A_22, %dma_wait3A] : memref<79x128xi32, #tpu.memory_space<vmem>> -> memref<1x128xi32, #tpu.memory_space<vmem>>
      %dma_wait3A_29 = tpu.memref_squeeze %dma_wait3A_28 : memref<1x128xi32, #tpu.memory_space<vmem>> -> memref<128xi32, #tpu.memory_space<vmem>>
      %dma_wait3A_30 = arith.constant 0 : i32
      %dma_wait3A_31 = arith.constant 0 : i32
      %dma_wait3A_32 = tpu.memref_slice %arg2[%dma_wait3A_30, %dma_wait3A_31] : memref<10000x128xf32, #tpu.memory_space<hbm>> -> memref<10000x128xf32, #tpu.memory_space<hbm>>
      tpu.wait_indirect_dma semaphore(%arg11 : memref<!tpu.dma_semaphore, #tpu.memory_space<semaphore_mem>>) src(%dma_wait3A_32 : memref<10000x128xf32, #tpu.memory_space<hbm>>) dst(%arg8 : memref<128x128xf32, #tpu.memory_space<vmem>>)
      "tpu.region"() ({
        %run_scoped3A = tpu.sem_alloc : memref<!tpu.dma_semaphore, #tpu.memory_space<semaphore_mem>>
        %dma_start3A_33 = arith.constant 0 : i32
        %dma_start3A_34 = tpu.memref_slice %arg7[%add3A_22, %dma_start3A_33] : memref<79x128xi32, #tpu.memory_space<vmem>> -> memref<1x128xi32, #tpu.memory_space<vmem>>
        %dma_start3A_35 = tpu.memref_squeeze %dma_start3A_34 : memref<1x128xi32, #tpu.memory_space<vmem>> -> memref<128xi32, #tpu.memory_space<vmem>>
        %dma_start3A_36 = arith.constant 0 : i32
        %dma_start3A_37 = arith.constant 0 : i32
        %dma_start3A_38 = tpu.memref_slice %arg10[%dma_start3A_36, %dma_start3A_37] : memref<10240x128xf32, #tpu.memory_space<vmem_shared>> -> memref<10240x128xf32, #tpu.memory_space<vmem_shared>>
        tpu.enqueue_indirect_dma source(%arg8 : memref<128x128xf32, #tpu.memory_space<vmem>>) target(%dma_start3A_38 : memref<10240x128xf32, #tpu.memory_space<vmem_shared>>) offsets(%dma_start3A_35 : memref<128xi32, #tpu.memory_space<vmem>>) semaphore(%run_scoped3A : memref<!tpu.dma_semaphore, #tpu.memory_space<semaphore_mem>>) {add = true}
        %dma_wait3A_39 = arith.constant 0 : i32
        %dma_wait3A_40 = tpu.memref_slice %arg7[%add3A_22, %dma_wait3A_39] : memref<79x128xi32, #tpu.memory_space<vmem>> -> memref<1x128xi32, #tpu.memory_space<vmem>>
        %dma_wait3A_41 = tpu.memref_squeeze %dma_wait3A_40 : memref<1x128xi32, #tpu.memory_space<vmem>> -> memref<128xi32, #tpu.memory_space<vmem>>
        %dma_wait3A_42 = arith.constant 0 : i32
        %dma_wait3A_43 = arith.constant 0 : i32
        %dma_wait3A_44 = tpu.memref_slice %arg10[%dma_wait3A_42, %dma_wait3A_43] : memref<10240x128xf32, #tpu.memory_space<vmem_shared>> -> memref<10240x128xf32, #tpu.memory_space<vmem_shared>>
        tpu.wait_indirect_dma semaphore(%run_scoped3A : memref<!tpu.dma_semaphore, #tpu.memory_space<semaphore_mem>>) src(%arg8 : memref<128x128xf32, #tpu.memory_space<vmem>>) dst(%dma_wait3A_44 : memref<10240x128xf32, #tpu.memory_space<vmem_shared>>)
        tpu.yield
      }) : () -> ()
    }
    %scan3A_14 = arith.constant 79 : i32
    %barrier3A_15 = arith.constant 0 : index
    tpu.barrier barrier_id(%barrier3A_15)
    %mul3A_16 = arith.constant 640 : i32
    %mul3A_17 = arith.muli %arg1, %mul3A_16 : i32
    "tpu.region"() ({
      %run_scoped3A = tpu.sem_alloc : memref<!tpu.dma_semaphore, #tpu.memory_space<semaphore_mem>>
      %dma_start3A = arith.constant 0 : i32
      %dma_start3A_18 = arith.constant 0 : i32
      %dma_start3A_19 = tpu.memref_slice %arg5[%arg0, %dma_start3A, %dma_start3A_18] : memref<2x10240x128xf32, #tpu.memory_space<hbm>> -> memref<1x10240x128xf32, #tpu.memory_space<hbm>>
      %dma_start3A_20 = tpu.memref_squeeze %dma_start3A_19 : memref<1x10240x128xf32, #tpu.memory_space<hbm>> -> memref<10240x128xf32, #tpu.memory_space<hbm>>
      %dma_start3A_21 = arith.constant 0 : i32
      %dma_start3A_22 = tpu.memref_slice %dma_start3A_20[%mul3A_17, %dma_start3A_21] : memref<10240x128xf32, #tpu.memory_space<hbm>> -> memref<640x128xf32, #tpu.memory_space<hbm>>
      %dma_start3A_23 = arith.constant 0 : i32
      %dma_start3A_24 = tpu.memref_slice %arg10[%mul3A_17, %dma_start3A_23] : memref<10240x128xf32, #tpu.memory_space<vmem_shared>> -> memref<640x128xf32, #tpu.memory_space<vmem_shared>>
      tpu.enqueue_dma source(%dma_start3A_24 : memref<640x128xf32, #tpu.memory_space<vmem_shared>>) target(%dma_start3A_22 : memref<640x128xf32, #tpu.memory_space<hbm>>) target_semaphore(%run_scoped3A : memref<!tpu.dma_semaphore, #tpu.memory_space<semaphore_mem>>)
      %dma_wait3A = arith.constant 0 : i32
      %dma_wait3A_25 = arith.constant 0 : i32
      %dma_wait3A_26 = tpu.memref_slice %arg5[%arg0, %dma_wait3A, %dma_wait3A_25] : memref<2x10240x128xf32, #tpu.memory_space<hbm>> -> memref<1x10240x128xf32, #tpu.memory_space<hbm>>
      %dma_wait3A_27 = tpu.memref_squeeze %dma_wait3A_26 : memref<1x10240x128xf32, #tpu.memory_space<hbm>> -> memref<10240x128xf32, #tpu.memory_space<hbm>>
      %dma_wait3A_28 = arith.constant 0 : i32
      %dma_wait3A_29 = tpu.memref_slice %dma_wait3A_27[%mul3A_17, %dma_wait3A_28] : memref<10240x128xf32, #tpu.memory_space<hbm>> -> memref<640x128xf32, #tpu.memory_space<hbm>>
      %dma_wait3A_30 = arith.constant 0 : i32
      %dma_wait3A_31 = tpu.memref_slice %arg10[%mul3A_17, %dma_wait3A_30] : memref<10240x128xf32, #tpu.memory_space<vmem_shared>> -> memref<640x128xf32, #tpu.memory_space<vmem_shared>>
      tpu.wait_dma2 semaphore(%run_scoped3A : memref<!tpu.dma_semaphore, #tpu.memory_space<semaphore_mem>>) src(%dma_wait3A_31 : memref<640x128xf32, #tpu.memory_space<vmem_shared>>) dst(%dma_wait3A_29 : memref<640x128xf32, #tpu.memory_space<hbm>>)
      tpu.yield
    }) : () -> ()
    return
  }
}

#map = affine_map<(d0, d1) -> (0, 0)>
#map1 = affine_map<(d0, d1) -> (0, 0, 0)>
module attributes {stable_mosaic.version = 14 : i64} {
  func.func @k(%arg0: i32, %arg1: i32, %arg2: memref<10000x128xf32, #tpu.memory_space<hbm>>, %arg3: memref<32x79x128xi32, #tpu.memory_space<hbm>>, %arg4: memref<32x79x128xi32, #tpu.memory_space<hbm>>, %arg5: memref<2x10240x128xf32, #tpu.memory_space<hbm>>, %arg6: memref<79x128xi32, #tpu.memory_space<vmem>>, %arg7: memref<79x128xi32, #tpu.memory_space<vmem>>, %arg8: memref<128x128xf32, #tpu.memory_space<vmem>>, %arg9: memref<16x128xf32, #tpu.memory_space<vmem>>, %arg10: memref<10240x128xf32, #tpu.memory_space<vmem_shared>>, %arg11: memref<!tpu.dma_semaphore, #tpu.memory_space<semaphore_mem>>) attributes {dimension_semantics = [#tpu.dimension_semantics<core_parallel>, #tpu.dimension_semantics<subcore_parallel>], iteration_bounds = array<i64: 2, 16>, scalar_prefetch = 0 : i64, scratch_operands = 6 : i64, tpu.core_type = #tpu.core_type<sc_vector_subcore>, window_params = [{transform_indices = #map}, {transform_indices = #map1}, {transform_indices = #map1}, {transform_indices = #map1}]} {
    %mul3A = arith.constant 16 : i32
    %mul3A_0 = arith.muli %arg0, %mul3A : i32
    %add3A = arith.addi %mul3A_0, %arg1 : i32
    %scan3A = arith.constant 0 : i32
    %scan3A_1 = arith.constant 16 : i32
    %scan3A_2 = arith.addi %scan3A, %scan3A_1 : i32
    %scan3A_3 = arith.constant 1 : i32
    scf.for %scan3A_18 = %scan3A to %scan3A_2 step %scan3A_3  : i32 {
      %mul3A_19 = arith.constant 1 : i32
      %mul3A_20 = arith.muli %scan3A_18, %mul3A_19 : i32
      %add3A_21 = arith.constant 0 : i32
      %add3A_22 = arith.addi %add3A_21, %mul3A_20 : i32
      %broadcast_in_dim3A = arith.constant 0.000000e+00 : f32
      %broadcast_in_dim3A_23 = vector.broadcast %broadcast_in_dim3A : f32 to vector<16xf32>
      %swap3A = arith.index_cast %add3A_22 : i32 to index
      %swap3A_24 = arith.constant 0 : index
      %swap3A_25 = tpu.vector_load %arg9[%swap3A, %swap3A_24] {strides = array<i32>} : memref<16x128xf32, #tpu.memory_space<vmem>>, vector<1x16xf32>,
      %swap3A_26 = vector.shape_cast %swap3A_25 : vector<1x16xf32> to vector<16xf32>
      %swap3A_27 = vector.shape_cast %broadcast_in_dim3A_23 : vector<16xf32> to vector<1x16xf32>
      tpu.vector_store %arg9[%swap3A, %swap3A_24], %swap3A_27 {strides = array<i32>} : memref<16x128xf32, #tpu.memory_space<vmem>>, vector<1x16xf32>,
      %broadcast_in_dim3A_28 = arith.constant 0.000000e+00 : f32
      %broadcast_in_dim3A_29 = vector.broadcast %broadcast_in_dim3A_28 : f32 to vector<16xf32>
      %swap3A_30 = arith.index_cast %add3A_22 : i32 to index
      %swap3A_31 = arith.constant 16 : index
      %swap3A_32 = tpu.vector_load %arg9[%swap3A_30, %swap3A_31] {strides = array<i32>} : memref<16x128xf32, #tpu.memory_space<vmem>>, vector<1x16xf32>,
      %swap3A_33 = vector.shape_cast %swap3A_32 : vector<1x16xf32> to vector<16xf32>
      %swap3A_34 = vector.shape_cast %broadcast_in_dim3A_29 : vector<16xf32> to vector<1x16xf32>
      tpu.vector_store %arg9[%swap3A_30, %swap3A_31], %swap3A_34 {strides = array<i32>} : memref<16x128xf32, #tpu.memory_space<vmem>>, vector<1x16xf32>,
      %broadcast_in_dim3A_35 = arith.constant 0.000000e+00 : f32
      %broadcast_in_dim3A_36 = vector.broadcast %broadcast_in_dim3A_35 : f32 to vector<16xf32>
      %swap3A_37 = arith.index_cast %add3A_22 : i32 to index
      %swap3A_38 = arith.constant 32 : index
      %swap3A_39 = tpu.vector_load %arg9[%swap3A_37, %swap3A_38] {strides = array<i32>} : memref<16x128xf32, #tpu.memory_space<vmem>>, vector<1x16xf32>,
      %swap3A_40 = vector.shape_cast %swap3A_39 : vector<1x16xf32> to vector<16xf32>
      %swap3A_41 = vector.shape_cast %broadcast_in_dim3A_36 : vector<16xf32> to vector<1x16xf32>
      tpu.vector_store %arg9[%swap3A_37, %swap3A_38], %swap3A_41 {strides = array<i32>} : memref<16x128xf32, #tpu.memory_space<vmem>>, vector<1x16xf32>,
      %broadcast_in_dim3A_42 = arith.constant 0.000000e+00 : f32
      %broadcast_in_dim3A_43 = vector.broadcast %broadcast_in_dim3A_42 : f32 to vector<16xf32>
      %swap3A_44 = arith.index_cast %add3A_22 : i32 to index
      %swap3A_45 = arith.constant 48 : index
      %swap3A_46 = tpu.vector_load %arg9[%swap3A_44, %swap3A_45] {strides = array<i32>} : memref<16x128xf32, #tpu.memory_space<vmem>>, vector<1x16xf32>,
      %swap3A_47 = vector.shape_cast %swap3A_46 : vector<1x16xf32> to vector<16xf32>
      %swap3A_48 = vector.shape_cast %broadcast_in_dim3A_43 : vector<16xf32> to vector<1x16xf32>
      tpu.vector_store %arg9[%swap3A_44, %swap3A_45], %swap3A_48 {strides = array<i32>} : memref<16x128xf32, #tpu.memory_space<vmem>>, vector<1x16xf32>,
      %broadcast_in_dim3A_49 = arith.constant 0.000000e+00 : f32
      %broadcast_in_dim3A_50 = vector.broadcast %broadcast_in_dim3A_49 : f32 to vector<16xf32>
      %swap3A_51 = arith.index_cast %add3A_22 : i32 to index
      %swap3A_52 = arith.constant 64 : index
      %swap3A_53 = tpu.vector_load %arg9[%swap3A_51, %swap3A_52] {strides = array<i32>} : memref<16x128xf32, #tpu.memory_space<vmem>>, vector<1x16xf32>,
      %swap3A_54 = vector.shape_cast %swap3A_53 : vector<1x16xf32> to vector<16xf32>
      %swap3A_55 = vector.shape_cast %broadcast_in_dim3A_50 : vector<16xf32> to vector<1x16xf32>
      tpu.vector_store %arg9[%swap3A_51, %swap3A_52], %swap3A_55 {strides = array<i32>} : memref<16x128xf32, #tpu.memory_space<vmem>>, vector<1x16xf32>,
      %broadcast_in_dim3A_56 = arith.constant 0.000000e+00 : f32
      %broadcast_in_dim3A_57 = vector.broadcast %broadcast_in_dim3A_56 : f32 to vector<16xf32>
      %swap3A_58 = arith.index_cast %add3A_22 : i32 to index
      %swap3A_59 = arith.constant 80 : index
      %swap3A_60 = tpu.vector_load %arg9[%swap3A_58, %swap3A_59] {strides = array<i32>} : memref<16x128xf32, #tpu.memory_space<vmem>>, vector<1x16xf32>,
      %swap3A_61 = vector.shape_cast %swap3A_60 : vector<1x16xf32> to vector<16xf32>
      %swap3A_62 = vector.shape_cast %broadcast_in_dim3A_57 : vector<16xf32> to vector<1x16xf32>
      tpu.vector_store %arg9[%swap3A_58, %swap3A_59], %swap3A_62 {strides = array<i32>} : memref<16x128xf32, #tpu.memory_space<vmem>>, vector<1x16xf32>,
      %broadcast_in_dim3A_63 = arith.constant 0.000000e+00 : f32
      %broadcast_in_dim3A_64 = vector.broadcast %broadcast_in_dim3A_63 : f32 to vector<16xf32>
      %swap3A_65 = arith.index_cast %add3A_22 : i32 to index
      %swap3A_66 = arith.constant 96 : index
      %swap3A_67 = tpu.vector_load %arg9[%swap3A_65, %swap3A_66] {strides = array<i32>} : memref<16x128xf32, #tpu.memory_space<vmem>>, vector<1x16xf32>,
      %swap3A_68 = vector.shape_cast %swap3A_67 : vector<1x16xf32> to vector<16xf32>
      %swap3A_69 = vector.shape_cast %broadcast_in_dim3A_64 : vector<16xf32> to vector<1x16xf32>
      tpu.vector_store %arg9[%swap3A_65, %swap3A_66], %swap3A_69 {strides = array<i32>} : memref<16x128xf32, #tpu.memory_space<vmem>>, vector<1x16xf32>,
      %broadcast_in_dim3A_70 = arith.constant 0.000000e+00 : f32
      %broadcast_in_dim3A_71 = vector.broadcast %broadcast_in_dim3A_70 : f32 to vector<16xf32>
      %swap3A_72 = arith.index_cast %add3A_22 : i32 to index
      %swap3A_73 = arith.constant 112 : index
      %swap3A_74 = tpu.vector_load %arg9[%swap3A_72, %swap3A_73] {strides = array<i32>} : memref<16x128xf32, #tpu.memory_space<vmem>>, vector<1x16xf32>,
      %swap3A_75 = vector.shape_cast %swap3A_74 : vector<1x16xf32> to vector<16xf32>
      %swap3A_76 = vector.shape_cast %broadcast_in_dim3A_71 : vector<16xf32> to vector<1x16xf32>
      tpu.vector_store %arg9[%swap3A_72, %swap3A_73], %swap3A_76 {strides = array<i32>} : memref<16x128xf32, #tpu.memory_space<vmem>>, vector<1x16xf32>,
    }
    %scan3A_4 = arith.constant 16 : i32
    %scan3A_5 = arith.constant 0 : i32
    %scan3A_6 = arith.constant 40 : i32
    %scan3A_7 = arith.addi %scan3A_5, %scan3A_6 : i32
    %scan3A_8 = arith.constant 1 : i32
    scf.for %scan3A_18 = %scan3A_5 to %scan3A_7 step %scan3A_8  : i32 {
      %mul3A_19 = arith.constant 1 : i32
      %mul3A_20 = arith.muli %scan3A_18, %mul3A_19 : i32
      %add3A_21 = arith.constant 0 : i32
      %add3A_22 = arith.addi %add3A_21, %mul3A_20 : i32
      %mul3A_23 = arith.constant 640 : i32
      %mul3A_24 = arith.muli %arg1, %mul3A_23 : i32
      %mul3A_25 = arith.constant 16 : i32
      %mul3A_26 = arith.muli %add3A_22, %mul3A_25 : i32
      %add3A_27 = arith.addi %mul3A_24, %mul3A_26 : i32
      "tpu.region"() ({
        %run_scoped3A = tpu.sem_alloc : memref<!tpu.dma_semaphore, #tpu.memory_space<semaphore_mem>>
        %dma_start3A = arith.constant 0 : i32
        %dma_start3A_28 = tpu.memref_slice %arg10[%add3A_27, %dma_start3A] : memref<10240x128xf32, #tpu.memory_space<vmem_shared>> -> memref<16x128xf32, #tpu.memory_space<vmem_shared>>
        %dma_start3A_29 = arith.constant 0 : i32
        %dma_start3A_30 = tpu.memref_slice %arg10[%add3A_27, %dma_start3A_29] : memref<10240x128xf32, #tpu.memory_space<vmem_shared>> -> memref<16x128xf32, #tpu.memory_space<vmem_shared>>
        tpu.enqueue_dma source(%arg9 : memref<16x128xf32, #tpu.memory_space<vmem>>) target(%dma_start3A_30 : memref<16x128xf32, #tpu.memory_space<vmem_shared>>) target_semaphore(%run_scoped3A : memref<!tpu.dma_semaphore, #tpu.memory_space<semaphore_mem>>)
        %dma_wait3A = arith.constant 0 : i32
        %dma_wait3A_31 = tpu.memref_slice %arg10[%add3A_27, %dma_wait3A] : memref<10240x128xf32, #tpu.memory_space<vmem_shared>> -> memref<16x128xf32, #tpu.memory_space<vmem_shared>>
        %dma_wait3A_32 = arith.constant 0 : i32
        %dma_wait3A_33 = tpu.memref_slice %arg10[%add3A_27, %dma_wait3A_32] : memref<10240x128xf32, #tpu.memory_space<vmem_shared>> -> memref<16x128xf32, #tpu.memory_space<vmem_shared>>
        tpu.wait_dma2 semaphore(%run_scoped3A : memref<!tpu.dma_semaphore, #tpu.memory_space<semaphore_mem>>) src(%arg9 : memref<16x128xf32, #tpu.memory_space<vmem>>) dst(%dma_wait3A_33 : memref<16x128xf32, #tpu.memory_space<vmem_shared>>)
        tpu.yield
      }) : () -> ()
    }
    %scan3A_9 = arith.constant 40 : i32
    "tpu.region"() ({
      %run_scoped3A = tpu.sem_alloc : memref<!tpu.dma_semaphore, #tpu.memory_space<semaphore_mem>>
      %dma_start3A = arith.constant 0 : i32
      %dma_start3A_18 = arith.constant 0 : i32
      %dma_start3A_19 = tpu.memref_slice %arg3[%add3A, %dma_start3A, %dma_start3A_18] : memref<32x79x128xi32, #tpu.memory_space<hbm>> -> memref<1x79x128xi32, #tpu.memory_space<hbm>>
      %dma_start3A_20 = tpu.memref_squeeze %dma_start3A_19 : memref<1x79x128xi32, #tpu.memory_space<hbm>> -> memref<79x128xi32, #tpu.memory_space<hbm>>
      %dma_start3A_21 = arith.constant 0 : i32
      %dma_start3A_22 = arith.constant 0 : i32
      %dma_start3A_23 = tpu.memref_slice %arg3[%add3A, %dma_start3A_21, %dma_start3A_22] : memref<32x79x128xi32, #tpu.memory_space<hbm>> -> memref<1x79x128xi32, #tpu.memory_space<hbm>>
      %dma_start3A_24 = tpu.memref_squeeze %dma_start3A_23 : memref<1x79x128xi32, #tpu.memory_space<hbm>> -> memref<79x128xi32, #tpu.memory_space<hbm>>
      tpu.enqueue_dma source(%dma_start3A_24 : memref<79x128xi32, #tpu.memory_space<hbm>>) target(%arg6 : memref<79x128xi32, #tpu.memory_space<vmem>>) target_semaphore(%run_scoped3A : memref<!tpu.dma_semaphore, #tpu.memory_space<semaphore_mem>>)
      %dma_wait3A = arith.constant 0 : i32
      %dma_wait3A_25 = arith.constant 0 : i32
      %dma_wait3A_26 = tpu.memref_slice %arg3[%add3A, %dma_wait3A, %dma_wait3A_25] : memref<32x79x128xi32, #tpu.memory_space<hbm>> -> memref<1x79x128xi32, #tpu.memory_space<hbm>>
      %dma_wait3A_27 = tpu.memref_squeeze %dma_wait3A_26 : memref<1x79x128xi32, #tpu.memory_space<hbm>> -> memref<79x128xi32, #tpu.memory_space<hbm>>
      %dma_wait3A_28 = arith.constant 0 : i32
      %dma_wait3A_29 = arith.constant 0 : i32
      %dma_wait3A_30 = tpu.memref_slice %arg3[%add3A, %dma_wait3A_28, %dma_wait3A_29] : memref<32x79x128xi32, #tpu.memory_space<hbm>> -> memref<1x79x128xi32, #tpu.memory_space<hbm>>
      %dma_wait3A_31 = tpu.memref_squeeze %dma_wait3A_30 : memref<1x79x128xi32, #tpu.memory_space<hbm>> -> memref<79x128xi32, #tpu.memory_space<hbm>>
      tpu.wait_dma2 semaphore(%run_scoped3A : memref<!tpu.dma_semaphore, #tpu.memory_space<semaphore_mem>>) src(%dma_wait3A_31 : memref<79x128xi32, #tpu.memory_space<hbm>>) dst(%arg6 : memref<79x128xi32, #tpu.memory_space<vmem>>)
      tpu.yield
    }) : () -> ()
    "tpu.region"() ({
      %run_scoped3A = tpu.sem_alloc : memref<!tpu.dma_semaphore, #tpu.memory_space<semaphore_mem>>
      %dma_start3A = arith.constant 0 : i32
      %dma_start3A_18 = arith.constant 0 : i32
      %dma_start3A_19 = tpu.memref_slice %arg4[%add3A, %dma_start3A, %dma_start3A_18] : memref<32x79x128xi32, #tpu.memory_space<hbm>> -> memref<1x79x128xi32, #tpu.memory_space<hbm>>
      %dma_start3A_20 = tpu.memref_squeeze %dma_start3A_19 : memref<1x79x128xi32, #tpu.memory_space<hbm>> -> memref<79x128xi32, #tpu.memory_space<hbm>>
      %dma_start3A_21 = arith.constant 0 : i32
      %dma_start3A_22 = arith.constant 0 : i32
      %dma_start3A_23 = tpu.memref_slice %arg4[%add3A, %dma_start3A_21, %dma_start3A_22] : memref<32x79x128xi32, #tpu.memory_space<hbm>> -> memref<1x79x128xi32, #tpu.memory_space<hbm>>
      %dma_start3A_24 = tpu.memref_squeeze %dma_start3A_23 : memref<1x79x128xi32, #tpu.memory_space<hbm>> -> memref<79x128xi32, #tpu.memory_space<hbm>>
      tpu.enqueue_dma source(%dma_start3A_24 : memref<79x128xi32, #tpu.memory_space<hbm>>) target(%arg7 : memref<79x128xi32, #tpu.memory_space<vmem>>) target_semaphore(%run_scoped3A : memref<!tpu.dma_semaphore, #tpu.memory_space<semaphore_mem>>)
      %dma_wait3A = arith.constant 0 : i32
      %dma_wait3A_25 = arith.constant 0 : i32
      %dma_wait3A_26 = tpu.memref_slice %arg4[%add3A, %dma_wait3A, %dma_wait3A_25] : memref<32x79x128xi32, #tpu.memory_space<hbm>> -> memref<1x79x128xi32, #tpu.memory_space<hbm>>
      %dma_wait3A_27 = tpu.memref_squeeze %dma_wait3A_26 : memref<1x79x128xi32, #tpu.memory_space<hbm>> -> memref<79x128xi32, #tpu.memory_space<hbm>>
      %dma_wait3A_28 = arith.constant 0 : i32
      %dma_wait3A_29 = arith.constant 0 : i32
      %dma_wait3A_30 = tpu.memref_slice %arg4[%add3A, %dma_wait3A_28, %dma_wait3A_29] : memref<32x79x128xi32, #tpu.memory_space<hbm>> -> memref<1x79x128xi32, #tpu.memory_space<hbm>>
      %dma_wait3A_31 = tpu.memref_squeeze %dma_wait3A_30 : memref<1x79x128xi32, #tpu.memory_space<hbm>> -> memref<79x128xi32, #tpu.memory_space<hbm>>
      tpu.wait_dma2 semaphore(%run_scoped3A : memref<!tpu.dma_semaphore, #tpu.memory_space<semaphore_mem>>) src(%dma_wait3A_31 : memref<79x128xi32, #tpu.memory_space<hbm>>) dst(%arg7 : memref<79x128xi32, #tpu.memory_space<vmem>>)
      tpu.yield
    }) : () -> ()
    %barrier3A = arith.constant 0 : index
    tpu.barrier barrier_id(%barrier3A)
    %scan3A_10 = arith.constant 0 : i32
    %scan3A_11 = arith.constant 79 : i32
    %scan3A_12 = arith.addi %scan3A_10, %scan3A_11 : i32
    %scan3A_13 = arith.constant 1 : i32
    scf.for %scan3A_18 = %scan3A_10 to %scan3A_12 step %scan3A_13  : i32 {
      %mul3A_19 = arith.constant 1 : i32
      %mul3A_20 = arith.muli %scan3A_18, %mul3A_19 : i32
      %add3A_21 = arith.constant 0 : i32
      %add3A_22 = arith.addi %add3A_21, %mul3A_20 : i32
      %dma_start3A = arith.constant 0 : i32
      %dma_start3A_23 = tpu.memref_slice %arg6[%add3A_22, %dma_start3A] : memref<79x128xi32, #tpu.memory_space<vmem>> -> memref<1x128xi32, #tpu.memory_space<vmem>>
      %dma_start3A_24 = tpu.memref_squeeze %dma_start3A_23 : memref<1x128xi32, #tpu.memory_space<vmem>> -> memref<128xi32, #tpu.memory_space<vmem>>
      %dma_start3A_25 = arith.constant 0 : i32
      %dma_start3A_26 = arith.constant 0 : i32
      %dma_start3A_27 = tpu.memref_slice %arg2[%dma_start3A_25, %dma_start3A_26] : memref<10000x128xf32, #tpu.memory_space<hbm>> -> memref<10000x128xf32, #tpu.memory_space<hbm>>
      tpu.enqueue_indirect_dma source(%dma_start3A_27 : memref<10000x128xf32, #tpu.memory_space<hbm>>) target(%arg8 : memref<128x128xf32, #tpu.memory_space<vmem>>) offsets(%dma_start3A_24 : memref<128xi32, #tpu.memory_space<vmem>>) semaphore(%arg11 : memref<!tpu.dma_semaphore, #tpu.memory_space<semaphore_mem>>)
      %dma_wait3A = arith.constant 0 : i32
      %dma_wait3A_28 = tpu.memref_slice %arg6[%add3A_22, %dma_wait3A] : memref<79x128xi32, #tpu.memory_space<vmem>> -> memref<1x128xi32, #tpu.memory_space<vmem>>
      %dma_wait3A_29 = tpu.memref_squeeze %dma_wait3A_28 : memref<1x128xi32, #tpu.memory_space<vmem>> -> memref<128xi32, #tpu.memory_space<vmem>>
      %dma_wait3A_30 = arith.constant 0 : i32
      %dma_wait3A_31 = arith.constant 0 : i32
      %dma_wait3A_32 = tpu.memref_slice %arg2[%dma_wait3A_30, %dma_wait3A_31] : memref<10000x128xf32, #tpu.memory_space<hbm>> -> memref<10000x128xf32, #tpu.memory_space<hbm>>
      tpu.wait_indirect_dma semaphore(%arg11 : memref<!tpu.dma_semaphore, #tpu.memory_space<semaphore_mem>>) src(%dma_wait3A_32 : memref<10000x128xf32, #tpu.memory_space<hbm>>) dst(%arg8 : memref<128x128xf32, #tpu.memory_space<vmem>>)
      "tpu.region"() ({
        %run_scoped3A = tpu.sem_alloc : memref<!tpu.dma_semaphore, #tpu.memory_space<semaphore_mem>>
        %dma_start3A_33 = arith.constant 0 : i32
        %dma_start3A_34 = tpu.memref_slice %arg7[%add3A_22, %dma_start3A_33] : memref<79x128xi32, #tpu.memory_space<vmem>> -> memref<1x128xi32, #tpu.memory_space<vmem>>
        %dma_start3A_35 = tpu.memref_squeeze %dma_start3A_34 : memref<1x128xi32, #tpu.memory_space<vmem>> -> memref<128xi32, #tpu.memory_space<vmem>>
        %dma_start3A_36 = arith.constant 0 : i32
        %dma_start3A_37 = arith.constant 0 : i32
        %dma_start3A_38 = tpu.memref_slice %arg10[%dma_start3A_36, %dma_start3A_37] : memref<10240x128xf32, #tpu.memory_space<vmem_shared>> -> memref<10240x128xf32, #tpu.memory_space<vmem_shared>>
        tpu.enqueue_indirect_dma source(%arg8 : memref<128x128xf32, #tpu.memory_space<vmem>>) target(%dma_start3A_38 : memref<10240x128xf32, #tpu.memory_space<vmem_shared>>) offsets(%dma_start3A_35 : memref<128xi32, #tpu.memory_space<vmem>>) semaphore(%run_scoped3A : memref<!tpu.dma_semaphore, #tpu.memory_space<semaphore_mem>>) {add = true}
        %dma_wait3A_39 = arith.constant 0 : i32
        %dma_wait3A_40 = tpu.memref_slice %arg7[%add3A_22, %dma_wait3A_39] : memref<79x128xi32, #tpu.memory_space<vmem>> -> memref<1x128xi32, #tpu.memory_space<vmem>>
        %dma_wait3A_41 = tpu.memref_squeeze %dma_wait3A_40 : memref<1x128xi32, #tpu.memory_space<vmem>> -> memref<128xi32, #tpu.memory_space<vmem>>
        %dma_wait3A_42 = arith.constant 0 : i32
        %dma_wait3A_43 = arith.constant 0 : i32
        %dma_wait3A_44 = tpu.memref_slice %arg10[%dma_wait3A_42, %dma_wait3A_43] : memref<10240x128xf32, #tpu.memory_space<vmem_shared>> -> memref<10240x128xf32, #tpu.memory_space<vmem_shared>>
        tpu.wait_indirect_dma semaphore(%run_scoped3A : memref<!tpu.dma_semaphore, #tpu.memory_space<semaphore_mem>>) src(%arg8 : memref<128x128xf32, #tpu.memory_space<vmem>>) dst(%dma_wait3A_44 : memref<10240x128xf32, #tpu.memory_space<vmem_shared>>)
        tpu.yield
      }) : () -> ()
    }
    %scan3A_14 = arith.constant 79 : i32
    %barrier3A_15 = arith.constant 0 : index
    tpu.barrier barrier_id(%barrier3A_15)
    %mul3A_16 = arith.constant 640 : i32
    %mul3A_17 = arith.muli %arg1, %mul3A_16 : i32
    "tpu.region"() ({
      %run_scoped3A = tpu.sem_alloc : memref<!tpu.dma_semaphore, #tpu.memory_space<semaphore_mem>>
      %dma_start3A = arith.constant 0 : i32
      %dma_start3A_18 = arith.constant 0 : i32
      %dma_start3A_19 = tpu.memref_slice %arg5[%arg0, %dma_start3A, %dma_start3A_18] : memref<2x10240x128xf32, #tpu.memory_space<hbm>> -> memref<1x10240x128xf32, #tpu.memory_space<hbm>>
      %dma_start3A_20 = tpu.memref_squeeze %dma_start3A_19 : memref<1x10240x128xf32, #tpu.memory_space<hbm>> -> memref<10240x128xf32, #tpu.memory_space<hbm>>
      %dma_start3A_21 = arith.constant 0 : i32
      %dma_start3A_22 = tpu.memref_slice %dma_start3A_20[%mul3A_17, %dma_start3A_21] : memref<10240x128xf32, #tpu.memory_space<hbm>> -> memref<640x128xf32, #tpu.memory_space<hbm>>
      %dma_start3A_23 = arith.constant 0 : i32
      %dma_start3A_24 = tpu.memref_slice %arg10[%mul3A_17, %dma_start3A_23] : memref<10240x128xf32, #tpu.memory_space<vmem_shared>> -> memref<640x128xf32, #tpu.memory_space<vmem_shared>>
      tpu.enqueue_dma source(%dma_start3A_24 : memref<640x128xf32, #tpu.memory_space<vmem_shared>>) target(%dma_start3A_22 : memref<640x128xf32, #tpu.memory_space<hbm>>) target_semaphore(%run_scoped3A : memref<!tpu.dma_semaphore, #tpu.memory_space<semaphore_mem>>)
      %dma_wait3A = arith.constant 0 : i32
      %dma_wait3A_25 = arith.constant 0 : i32
      %dma_wait3A_26 = tpu.memref_slice %arg5[%arg0, %dma_wait3A, %dma_wait3A_25] : memref<2x10240x128xf32, #tpu.memory_space<hbm>> -> memref<1x10240x128xf32, #tpu.memory_space<hbm>>
      %dma_wait3A_27 = tpu.memref_squeeze %dma_wait3A_26 : memref<1x10240x128xf32, #tpu.memory_space<hbm>> -> memref<10240x128xf32, #tpu.memory_space<hbm>>
      %dma_wait3A_28 = arith.constant 0 : i32
      %dma_wait3A_29 = tpu.memref_slice %dma_wait3A_27[%mul3A_17, %dma_wait3A_28] : memref<10240x128xf32, #tpu.memory_space<hbm>> -> memref<640x128xf32, #tpu.memory_space<hbm>>
      %dma_wait3A_30 = arith.constant 0 : i32
      %dma_wait3A_31 = tpu.memref_slice %arg10[%mul3A_17, %dma_wait3A_30] : memref<10240x128xf32, #tpu.memory_space<vmem_shared>> -> memref<640x128xf32, #tpu.memory_space<vmem_shared>>
      tpu.wait_dma2 semaphore(%run_scoped3A : memref<!tpu.dma_semaphore, #tpu.memory_space<semaphore_mem>>) src(%dma_wait3A_31 : memref<640x128xf32, #tpu.memory_space<vmem_shared>>) dst(%dma_wait3A_29 : memref<640x128xf32, #tpu.memory_space<hbm>>)
      tpu.yield
    }) : () -> ()
    return
  }
}

module attributes {stable_mosaic.version = 14 : i64} {
  func.func @_mm_body(%arg0: i32, %arg1: memref<1000x128xf32, #tpu.memory_space<vmem>>, %arg2: memref<128x128xf32, #tpu.memory_space<vmem>>, %arg3: memref<128x128xf32, #tpu.memory_space<vmem>>, %arg4: memref<128xf32, #tpu.memory_space<vmem>>, %arg5: memref<1000x128xf32, #tpu.memory_space<vmem>>, %arg6: memref<1000x128xf32, #tpu.memory_space<vmem>>) attributes {dimension_semantics = [#tpu.dimension_semantics<arbitrary>], iteration_bounds = array<i64: 10>, scalar_prefetch = 0 : i64, scratch_operands = 0 : i64, tpu.core_type = #tpu.core_type<tc>, window_params = [{transform_indices = @transform_0, window_bounds = array<i64: 1000, 128>}, {pipeline_mode = #tpu.pipeline_mode<synchronous>, transform_indices = @transform_1, window_bounds = array<i64: 128, 128>}, {pipeline_mode = #tpu.pipeline_mode<synchronous>, transform_indices = @transform_2, window_bounds = array<i64: 128, 128>}, {pipeline_mode = #tpu.pipeline_mode<synchronous>, transform_indices = @transform_3, window_bounds = array<i64: 128>}, {transform_indices = @transform_4, window_bounds = array<i64: 1000, 128>}, {transform_indices = @transform_5, window_bounds = array<i64: 1000, 128>}]} {
    %get3A = arith.constant 0 : index
    %get3A_0 = arith.constant 0 : index
    %get3A_1 = vector.load %arg1[%get3A, %get3A_0] : memref<1000x128xf32, #tpu.memory_space<vmem>>, vector<1000x128xf32>
    %get3A_2 = arith.constant 0 : index
    %get3A_3 = arith.constant 0 : index
    %get3A_4 = vector.load %arg2[%get3A_2, %get3A_3] : memref<128x128xf32, #tpu.memory_space<vmem>>, vector<128x128xf32>
    %dot_general3A = arith.constant dense<0.000000e+00> : vector<1000x128xf32>
    %dot_general3A_5 = tpu.matmul %get3A_1, %get3A_4, %dot_general3A {dimension_numbers = #tpu.dot_dimension_numbers<[1], [0], [0], [1], [0, 0, 1, 1], [], []>, transpose_lhs_hint = false} : vector<1000x128xf32>, vector<128x128xf32>, vector<1000x128xf32> -> vector<1000x128xf32>
    %swap3A = arith.constant 0 : index
    %swap3A_6 = arith.constant 0 : index
    %swap3A_7 = vector.load %arg5[%swap3A, %swap3A_6] : memref<1000x128xf32, #tpu.memory_space<vmem>>, vector<1000x128xf32>
    tpu.vector_store %arg5[%swap3A, %swap3A_6], %dot_general3A_5 {strides = array<i32>} : memref<1000x128xf32, #tpu.memory_space<vmem>>, vector<1000x128xf32>,
    %get3A_8 = arith.constant 0 : index
    %get3A_9 = arith.constant 0 : index
    %get3A_10 = vector.load %arg3[%get3A_8, %get3A_9] : memref<128x128xf32, #tpu.memory_space<vmem>>, vector<128x128xf32>
    %dot_general3A_11 = arith.constant dense<0.000000e+00> : vector<1000x128xf32>
    %dot_general3A_12 = tpu.matmul %get3A_1, %get3A_10, %dot_general3A_11 {dimension_numbers = #tpu.dot_dimension_numbers<[1], [0], [0], [1], [0, 0, 1, 1], [], []>, transpose_lhs_hint = false} : vector<1000x128xf32>, vector<128x128xf32>, vector<1000x128xf32> -> vector<1000x128xf32>
    %get3A_13 = arith.constant 0 : index
    %get3A_14 = vector.load %arg4[%get3A_13] : memref<128xf32, #tpu.memory_space<vmem>>, vector<128xf32>
    %broadcast_in_dim3A = vector.shape_cast %get3A_14 : vector<128xf32> to vector<1x128xf32>
    %add3A = vector.broadcast %broadcast_in_dim3A : vector<1x128xf32> to vector<1000x128xf32>
    %add3A_15 = arith.addf %dot_general3A_12, %add3A : vector<1000x128xf32>
    %swap3A_16 = arith.constant 0 : index
    %swap3A_17 = arith.constant 0 : index
    %swap3A_18 = vector.load %arg6[%swap3A_16, %swap3A_17] : memref<1000x128xf32, #tpu.memory_space<vmem>>, vector<1000x128xf32>
    tpu.vector_store %arg6[%swap3A_16, %swap3A_17], %add3A_15 {strides = array<i32>} : memref<1000x128xf32, #tpu.memory_space<vmem>>, vector<1000x128xf32>,
    return
  }
  func.func @transform_0(%arg0: i32) -> (i32, i32) {
    %c0_i32 = arith.constant 0 : i32
    %c0_i32_0 = arith.constant 0 : i32
    return %arg0, %c0_i32 : i32, i32
  }
  func.func @transform_1(%arg0: i32) -> (i32, i32) {
    %c0_i32 = arith.constant 0 : i32
    %c0_i32_0 = arith.constant 0 : i32
    %c0_i32_1 = arith.constant 0 : i32
    return %c0_i32, %c0_i32_0 : i32, i32
  }
  func.func @transform_2(%arg0: i32) -> (i32, i32) {
    %c0_i32 = arith.constant 0 : i32
    %c0_i32_0 = arith.constant 0 : i32
    %c0_i32_1 = arith.constant 0 : i32
    return %c0_i32, %c0_i32_0 : i32, i32
  }
  func.func @transform_3(%arg0: i32) -> i32 {
    %c0_i32 = arith.constant 0 : i32
    %c0_i32_0 = arith.constant 0 : i32
    return %c0_i32 : i32
  }
  func.func @transform_4(%arg0: i32) -> (i32, i32) {
    %c0_i32 = arith.constant 0 : i32
    %c0_i32_0 = arith.constant 0 : i32
    return %arg0, %c0_i32 : i32, i32
  }
  func.func @transform_5(%arg0: i32) -> (i32, i32) {
    %c0_i32 = arith.constant 0 : i32
    %c0_i32_0 = arith.constant 0 : i32
    return %arg0, %c0_i32 : i32, i32
  }
}

module attributes {stable_mosaic.version = 14 : i64} {
  func.func @_scale_body(%arg0: i32, %arg1: memref<1000x128xf32, #tpu.memory_space<vmem>>, %arg2: memref<2x1000x128xf32, #tpu.memory_space<vmem>>, %arg3: memref<1000x128xf32, #tpu.memory_space<vmem>>) attributes {dimension_semantics = [#tpu.dimension_semantics<arbitrary>], iteration_bounds = array<i64: 10>, scalar_prefetch = 0 : i64, scratch_operands = 0 : i64, tpu.core_type = #tpu.core_type<tc>, window_params = [{transform_indices = @transform_0, window_bounds = array<i64: 1000, 128>}, {transform_indices = @transform_1, window_bounds = array<i64: 2, 1000, 128>}, {transform_indices = @transform_2, window_bounds = array<i64: 1000, 128>}]} {
    %get3A = arith.constant 0 : index
    %get3A_0 = arith.constant 0 : index
    %get3A_1 = vector.load %arg1[%get3A, %get3A_0] : memref<1000x128xf32, #tpu.memory_space<vmem>>, vector<1000x128xf32>
    %get3A_2 = arith.constant 0 : index
    %get3A_3 = arith.constant 0 : index
    %get3A_4 = arith.constant 0 : index
    %get3A_5 = vector.load %arg2[%get3A_2, %get3A_3, %get3A_4] : memref<2x1000x128xf32, #tpu.memory_space<vmem>>, vector<2x1000x128xf32>
    %slice3A = vector.extract_strided_slice %get3A_5 {offsets = [0, 0, 0], sizes = [1, 1000, 1], strides = [1, 1, 1]} : vector<2x1000x128xf32> to vector<1x1000x1xf32>
    %squeeze3A = vector.shape_cast %slice3A : vector<1x1000x1xf32> to vector<1000xf32>
    %slice3A_6 = vector.extract_strided_slice %get3A_5 {offsets = [1, 0, 0], sizes = [1, 1000, 1], strides = [1, 1, 1]} : vector<2x1000x128xf32> to vector<1x1000x1xf32>
    %squeeze3A_7 = vector.shape_cast %slice3A_6 : vector<1x1000x1xf32> to vector<1000xf32>
    %add3A = arith.addf %squeeze3A, %squeeze3A_7 : vector<1000xf32>
    %add3A_8 = arith.constant 1.000000e+00 : f32
    %add3A_9 = vector.broadcast %add3A_8 : f32 to vector<1000xf32>
    %add3A_10 = arith.addf %add3A, %add3A_9 : vector<1000xf32>
    %rsqrt3A = math.rsqrt %add3A_10 : vector<1000xf32>
    %broadcast_in_dim3A = vector.shape_cast %rsqrt3A : vector<1000xf32> to vector<1000x1xf32>
    %mul3A = vector.broadcast %broadcast_in_dim3A : vector<1000x1xf32> to vector<1000x128xf32>
    %mul3A_11 = arith.mulf %get3A_1, %mul3A : vector<1000x128xf32>
    %swap3A = arith.constant 0 : index
    %swap3A_12 = arith.constant 0 : index
    %swap3A_13 = vector.load %arg3[%swap3A, %swap3A_12] : memref<1000x128xf32, #tpu.memory_space<vmem>>, vector<1000x128xf32>
    tpu.vector_store %arg3[%swap3A, %swap3A_12], %mul3A_11 {strides = array<i32>} : memref<1000x128xf32, #tpu.memory_space<vmem>>, vector<1000x128xf32>,
    return
  }
  func.func @transform_0(%arg0: i32) -> (i32, i32) {
    %c0_i32 = arith.constant 0 : i32
    %c0_i32_0 = arith.constant 0 : i32
    return %arg0, %c0_i32 : i32, i32
  }
  func.func @transform_1(%arg0: i32) -> (i32, i32, i32) {
    %c0_i32 = arith.constant 0 : i32
    %c0_i32_0 = arith.constant 0 : i32
    %c0_i32_1 = arith.constant 0 : i32
    return %c0_i32, %arg0, %c0_i32_0 : i32, i32, i32
  }
  func.func @transform_2(%arg0: i32) -> (i32, i32) {
    %c0_i32 = arith.constant 0 : i32
    %c0_i32_0 = arith.constant 0 : i32
    return %arg0, %c0_i32 : i32, i32
  }
}

module attributes {stable_mosaic.version = 14 : i64} {
  func.func @_mid_body(%arg0: i32, %arg1: memref<2x1000x128xf32, #tpu.memory_space<vmem>>, %arg2: memref<1000x128xf32, #tpu.memory_space<vmem>>, %arg3: memref<2x1000x128xf32, #tpu.memory_space<vmem>>, %arg4: memref<128xf32, #tpu.memory_space<vmem>>, %arg5: memref<128x128xf32, #tpu.memory_space<vmem>>, %arg6: memref<1000x128xf32, #tpu.memory_space<vmem>>) attributes {dimension_semantics = [#tpu.dimension_semantics<arbitrary>], iteration_bounds = array<i64: 10>, scalar_prefetch = 0 : i64, scratch_operands = 0 : i64, tpu.core_type = #tpu.core_type<tc>, window_params = [{transform_indices = @transform_0, window_bounds = array<i64: 2, 1000, 128>}, {transform_indices = @transform_1, window_bounds = array<i64: 1000, 128>}, {transform_indices = @transform_2, window_bounds = array<i64: 2, 1000, 128>}, {pipeline_mode = #tpu.pipeline_mode<synchronous>, transform_indices = @transform_3, window_bounds = array<i64: 128>}, {pipeline_mode = #tpu.pipeline_mode<synchronous>, transform_indices = @transform_4, window_bounds = array<i64: 128, 128>}, {transform_indices = @transform_5, window_bounds = array<i64: 1000, 128>}]} {
    %get3A = arith.constant 0 : index
    %get3A_0 = arith.constant 0 : index
    %get3A_1 = arith.constant 0 : index
    %get3A_2 = vector.load %arg3[%get3A, %get3A_0, %get3A_1] : memref<2x1000x128xf32, #tpu.memory_space<vmem>>, vector<2x1000x128xf32>
    %slice3A = vector.extract_strided_slice %get3A_2 {offsets = [0, 0, 0], sizes = [1, 1000, 1], strides = [1, 1, 1]} : vector<2x1000x128xf32> to vector<1x1000x1xf32>
    %squeeze3A = vector.shape_cast %slice3A : vector<1x1000x1xf32> to vector<1000xf32>
    %slice3A_3 = vector.extract_strided_slice %get3A_2 {offsets = [1, 0, 0], sizes = [1, 1000, 1], strides = [1, 1, 1]} : vector<2x1000x128xf32> to vector<1x1000x1xf32>
    %squeeze3A_4 = vector.shape_cast %slice3A_3 : vector<1x1000x1xf32> to vector<1000xf32>
    %add3A = arith.addf %squeeze3A, %squeeze3A_4 : vector<1000xf32>
    %add3A_5 = arith.constant 1.000000e+00 : f32
    %add3A_6 = vector.broadcast %add3A_5 : f32 to vector<1000xf32>
    %add3A_7 = arith.addf %add3A, %add3A_6 : vector<1000xf32>
    %rsqrt3A = math.rsqrt %add3A_7 : vector<1000xf32>
    %broadcast_in_dim3A = vector.shape_cast %rsqrt3A : vector<1000xf32> to vector<1000x1xf32>
    %get3A_8 = arith.constant 0 : index
    %get3A_9 = arith.constant 0 : index
    %get3A_10 = arith.constant 0 : index
    %get3A_11 = vector.load %arg1[%get3A_8, %get3A_9, %get3A_10] : memref<2x1000x128xf32, #tpu.memory_space<vmem>>, vector<2x1000x128xf32>
    %slice3A_12 = vector.extract_strided_slice %get3A_11 {offsets = [0, 0, 0], sizes = [1, 1000, 128], strides = [1, 1, 1]} : vector<2x1000x128xf32> to vector<1x1000x128xf32>
    %squeeze3A_13 = vector.shape_cast %slice3A_12 : vector<1x1000x128xf32> to vector<1000x128xf32>
    %slice3A_14 = vector.extract_strided_slice %get3A_11 {offsets = [1, 0, 0], sizes = [1, 1000, 128], strides = [1, 1, 1]} : vector<2x1000x128xf32> to vector<1x1000x128xf32>
    %squeeze3A_15 = vector.shape_cast %slice3A_14 : vector<1x1000x128xf32> to vector<1000x128xf32>
    %add3A_16 = arith.addf %squeeze3A_13, %squeeze3A_15 : vector<1000x128xf32>
    %get3A_17 = arith.constant 0 : index
    %get3A_18 = arith.constant 0 : index
    %get3A_19 = vector.load %arg2[%get3A_17, %get3A_18] : memref<1000x128xf32, #tpu.memory_space<vmem>>, vector<1000x128xf32>
    %add3A_20 = arith.addf %add3A_16, %get3A_19 : vector<1000x128xf32>
    %mul3A = vector.broadcast %broadcast_in_dim3A : vector<1000x1xf32> to vector<1000x128xf32>
    %mul3A_21 = arith.mulf %mul3A, %add3A_20 : vector<1000x128xf32>
    %get3A_22 = arith.constant 0 : index
    %get3A_23 = vector.load %arg4[%get3A_22] : memref<128xf32, #tpu.memory_space<vmem>>, vector<128xf32>
    %broadcast_in_dim3A_24 = vector.shape_cast %get3A_23 : vector<128xf32> to vector<1x128xf32>
    %add3A_25 = vector.broadcast %broadcast_in_dim3A_24 : vector<1x128xf32> to vector<1000x128xf32>
    %add3A_26 = arith.addf %mul3A_21, %add3A_25 : vector<1000x128xf32>
    %max3A = arith.constant 0.000000e+00 : f32
    %max3A_27 = vector.broadcast %max3A : f32 to vector<1000x128xf32>
    %max3A_28 = arith.maximumf %add3A_26, %max3A_27 : vector<1000x128xf32>
    %get3A_29 = arith.constant 0 : index
    %get3A_30 = arith.constant 0 : index
    %get3A_31 = vector.load %arg5[%get3A_29, %get3A_30] : memref<128x128xf32, #tpu.memory_space<vmem>>, vector<128x128xf32>
    %dot_general3A = arith.constant dense<0.000000e+00> : vector<1000x128xf32>
    %dot_general3A_32 = tpu.matmul %max3A_28, %get3A_31, %dot_general3A {dimension_numbers = #tpu.dot_dimension_numbers<[1], [0], [0], [1], [0, 0, 1, 1], [], []>, transpose_lhs_hint = false} : vector<1000x128xf32>, vector<128x128xf32>, vector<1000x128xf32> -> vector<1000x128xf32>
    %mul3A_33 = vector.broadcast %broadcast_in_dim3A : vector<1000x1xf32> to vector<1000x128xf32>
    %mul3A_34 = arith.mulf %mul3A_33, %dot_general3A_32 : vector<1000x128xf32>
    %swap3A = arith.constant 0 : index
    %swap3A_35 = arith.constant 0 : index
    %swap3A_36 = vector.load %arg6[%swap3A, %swap3A_35] : memref<1000x128xf32, #tpu.memory_space<vmem>>, vector<1000x128xf32>
    tpu.vector_store %arg6[%swap3A, %swap3A_35], %mul3A_34 {strides = array<i32>} : memref<1000x128xf32, #tpu.memory_space<vmem>>, vector<1000x128xf32>,
    return
  }
  func.func @transform_0(%arg0: i32) -> (i32, i32, i32) {
    %c0_i32 = arith.constant 0 : i32
    %c0_i32_0 = arith.constant 0 : i32
    %c0_i32_1 = arith.constant 0 : i32
    return %c0_i32, %arg0, %c0_i32_0 : i32, i32, i32
  }
  func.func @transform_1(%arg0: i32) -> (i32, i32) {
    %c0_i32 = arith.constant 0 : i32
    %c0_i32_0 = arith.constant 0 : i32
    return %arg0, %c0_i32 : i32, i32
  }
  func.func @transform_2(%arg0: i32) -> (i32, i32, i32) {
    %c0_i32 = arith.constant 0 : i32
    %c0_i32_0 = arith.constant 0 : i32
    %c0_i32_1 = arith.constant 0 : i32
    return %c0_i32, %arg0, %c0_i32_0 : i32, i32, i32
  }
  func.func @transform_3(%arg0: i32) -> i32 {
    %c0_i32 = arith.constant 0 : i32
    %c0_i32_0 = arith.constant 0 : i32
    return %c0_i32 : i32
  }
  func.func @transform_4(%arg0: i32) -> (i32, i32) {
    %c0_i32 = arith.constant 0 : i32
    %c0_i32_0 = arith.constant 0 : i32
    %c0_i32_1 = arith.constant 0 : i32
    return %c0_i32, %c0_i32_0 : i32, i32
  }
  func.func @transform_5(%arg0: i32) -> (i32, i32) {
    %c0_i32 = arith.constant 0 : i32
    %c0_i32_0 = arith.constant 0 : i32
    return %arg0, %c0_i32 : i32, i32
  }
}

module attributes {stable_mosaic.version = 14 : i64} {
  func.func @_post_body(%arg0: i32, %arg1: memref<2x1000x128xf32, #tpu.memory_space<vmem>>, %arg2: memref<1000x128xf32, #tpu.memory_space<vmem>>, %arg3: memref<2x1000x128xf32, #tpu.memory_space<vmem>>, %arg4: memref<128xf32, #tpu.memory_space<vmem>>, %arg5: memref<1000x128xf32, #tpu.memory_space<vmem>>, %arg6: memref<1000x128xf32, #tpu.memory_space<vmem>>) attributes {dimension_semantics = [#tpu.dimension_semantics<arbitrary>], iteration_bounds = array<i64: 10>, scalar_prefetch = 0 : i64, scratch_operands = 0 : i64, tpu.core_type = #tpu.core_type<tc>, window_params = [{transform_indices = @transform_0, window_bounds = array<i64: 2, 1000, 128>}, {transform_indices = @transform_1, window_bounds = array<i64: 1000, 128>}, {transform_indices = @transform_2, window_bounds = array<i64: 2, 1000, 128>}, {pipeline_mode = #tpu.pipeline_mode<synchronous>, transform_indices = @transform_3, window_bounds = array<i64: 128>}, {transform_indices = @transform_4, window_bounds = array<i64: 1000, 128>}, {transform_indices = @transform_5, window_bounds = array<i64: 1000, 128>}]} {
    %get3A = arith.constant 0 : index
    %get3A_0 = arith.constant 0 : index
    %get3A_1 = arith.constant 0 : index
    %get3A_2 = vector.load %arg3[%get3A, %get3A_0, %get3A_1] : memref<2x1000x128xf32, #tpu.memory_space<vmem>>, vector<2x1000x128xf32>
    %slice3A = vector.extract_strided_slice %get3A_2 {offsets = [0, 0, 0], sizes = [1, 1000, 1], strides = [1, 1, 1]} : vector<2x1000x128xf32> to vector<1x1000x1xf32>
    %squeeze3A = vector.shape_cast %slice3A : vector<1x1000x1xf32> to vector<1000xf32>
    %slice3A_3 = vector.extract_strided_slice %get3A_2 {offsets = [1, 0, 0], sizes = [1, 1000, 1], strides = [1, 1, 1]} : vector<2x1000x128xf32> to vector<1x1000x1xf32>
    %squeeze3A_4 = vector.shape_cast %slice3A_3 : vector<1x1000x1xf32> to vector<1000xf32>
    %add3A = arith.addf %squeeze3A, %squeeze3A_4 : vector<1000xf32>
    %add3A_5 = arith.constant 1.000000e+00 : f32
    %add3A_6 = vector.broadcast %add3A_5 : f32 to vector<1000xf32>
    %add3A_7 = arith.addf %add3A, %add3A_6 : vector<1000xf32>
    %rsqrt3A = math.rsqrt %add3A_7 : vector<1000xf32>
    %broadcast_in_dim3A = vector.shape_cast %rsqrt3A : vector<1000xf32> to vector<1000x1xf32>
    %get3A_8 = arith.constant 0 : index
    %get3A_9 = arith.constant 0 : index
    %get3A_10 = arith.constant 0 : index
    %get3A_11 = vector.load %arg1[%get3A_8, %get3A_9, %get3A_10] : memref<2x1000x128xf32, #tpu.memory_space<vmem>>, vector<2x1000x128xf32>
    %slice3A_12 = vector.extract_strided_slice %get3A_11 {offsets = [0, 0, 0], sizes = [1, 1000, 128], strides = [1, 1, 1]} : vector<2x1000x128xf32> to vector<1x1000x128xf32>
    %squeeze3A_13 = vector.shape_cast %slice3A_12 : vector<1x1000x128xf32> to vector<1000x128xf32>
    %slice3A_14 = vector.extract_strided_slice %get3A_11 {offsets = [1, 0, 0], sizes = [1, 1000, 128], strides = [1, 1, 1]} : vector<2x1000x128xf32> to vector<1x1000x128xf32>
    %squeeze3A_15 = vector.shape_cast %slice3A_14 : vector<1x1000x128xf32> to vector<1000x128xf32>
    %add3A_16 = arith.addf %squeeze3A_13, %squeeze3A_15 : vector<1000x128xf32>
    %get3A_17 = arith.constant 0 : index
    %get3A_18 = arith.constant 0 : index
    %get3A_19 = vector.load %arg2[%get3A_17, %get3A_18] : memref<1000x128xf32, #tpu.memory_space<vmem>>, vector<1000x128xf32>
    %add3A_20 = arith.addf %add3A_16, %get3A_19 : vector<1000x128xf32>
    %mul3A = vector.broadcast %broadcast_in_dim3A : vector<1000x1xf32> to vector<1000x128xf32>
    %mul3A_21 = arith.mulf %mul3A, %add3A_20 : vector<1000x128xf32>
    %get3A_22 = arith.constant 0 : index
    %get3A_23 = vector.load %arg4[%get3A_22] : memref<128xf32, #tpu.memory_space<vmem>>, vector<128xf32>
    %broadcast_in_dim3A_24 = vector.shape_cast %get3A_23 : vector<128xf32> to vector<1x128xf32>
    %add3A_25 = vector.broadcast %broadcast_in_dim3A_24 : vector<1x128xf32> to vector<1000x128xf32>
    %add3A_26 = arith.addf %mul3A_21, %add3A_25 : vector<1000x128xf32>
    %get3A_27 = arith.constant 0 : index
    %get3A_28 = arith.constant 0 : index
    %get3A_29 = vector.load %arg5[%get3A_27, %get3A_28] : memref<1000x128xf32, #tpu.memory_space<vmem>>, vector<1000x128xf32>
    %add3A_30 = arith.addf %add3A_26, %get3A_29 : vector<1000x128xf32>
    %max3A = arith.constant 0.000000e+00 : f32
    %max3A_31 = vector.broadcast %max3A : f32 to vector<1000x128xf32>
    %max3A_32 = arith.maximumf %add3A_30, %max3A_31 : vector<1000x128xf32>
    %swap3A = arith.constant 0 : index
    %swap3A_33 = arith.constant 0 : index
    %swap3A_34 = vector.load %arg6[%swap3A, %swap3A_33] : memref<1000x128xf32, #tpu.memory_space<vmem>>, vector<1000x128xf32>
    tpu.vector_store %arg6[%swap3A, %swap3A_33], %max3A_32 {strides = array<i32>} : memref<1000x128xf32, #tpu.memory_space<vmem>>, vector<1000x128xf32>,
    return
  }
  func.func @transform_0(%arg0: i32) -> (i32, i32, i32) {
    %c0_i32 = arith.constant 0 : i32
    %c0_i32_0 = arith.constant 0 : i32
    %c0_i32_1 = arith.constant 0 : i32
    return %c0_i32, %arg0, %c0_i32_0 : i32, i32, i32
  }
  func.func @transform_1(%arg0: i32) -> (i32, i32) {
    %c0_i32 = arith.constant 0 : i32
    %c0_i32_0 = arith.constant 0 : i32
    return %arg0, %c0_i32 : i32, i32
  }
  func.func @transform_2(%arg0: i32) -> (i32, i32, i32) {
    %c0_i32 = arith.constant 0 : i32
    %c0_i32_0 = arith.constant 0 : i32
    %c0_i32_1 = arith.constant 0 : i32
    return %c0_i32, %arg0, %c0_i32_0 : i32, i32, i32
  }
  func.func @transform_3(%arg0: i32) -> i32 {
    %c0_i32 = arith.constant 0 : i32
    %c0_i32_0 = arith.constant 0 : i32
    return %c0_i32 : i32
  }
  func.func @transform_4(%arg0: i32) -> (i32, i32) {
    %c0_i32 = arith.constant 0 : i32
    %c0_i32_0 = arith.constant 0 : i32
    return %arg0, %c0_i32 : i32, i32
  }
  func.func @transform_5(%arg0: i32) -> (i32, i32) {
    %c0_i32 = arith.constant 0 : i32
    %c0_i32_0 = arith.constant 0 : i32
    return %arg0, %c0_i32 : i32, i32
  }
}

</mosaic_0001>

<sc_bundles>
// kernel: kernel.12.cloned.1.call-start
scs
__scs_entry_jumppad:
0x0: {  	(pc) =	sbr.rel $0x88, $3  }
0x1: {  	(tag) =	ssettag $0x0;
	lr =	simm.s32 $0x1  }
0x2: {  	[smem:$0x3F99] =	sst lr;
	_ =	strace $0xD0000000  }
0x3: {  	_ = 	snop  }
0x4: {  	_ = 	snop  }
0x5: {  	_ = 	snop  }
0x6: {  	_ = 	snop  }
0x7: {  	_ = 	snop  }
__scs_overlays_trampoline_lowered:
0x8: {  	[smem:$0x3FA8] =	sst s0  }
0x9: {  	[smem:$0x3FA9] =	sst s1  }
0xa: {  	[smem:$0x3FAA] =	sst s2  }
0xb: {  	[smem:$0x3FAB] =	sst s3  }
0xc: {  	[smem:$0x3FAC] =	sst s4  }
0xd: {  	[smem:$0x3FAD] =	sst s5  }
0xe: {  	[smem:$0x3FAE] =	sst s6  }
0xf: {  	[smem:$0x3FAF] =	sst s7  }
0x10: {  	[smem:$0x3FB0] =	sst s8  }
0x11: {  	[smem:$0x3FB1] =	sst s9;
	s0 =	simm.s32 @!p0 $0x0  }
0x12: {  	s1 =	sld [smem:$0x3F97];
	s0 =	simm.s32 @p0 $0x1  }
0x13: {  	[smem:$0x3FB2] =	sst s0;
	s0 =	simm.s32 @!p1 $0x0  }
0x14: {  	s2 =	sld [smem:$0x3F96];
	s0 =	simm.s32 @p1 $0x1  }
0x15: {  	[smem:$0x3FB3] =	sst s0;
	s0 =	simm.s32 @!p2 $0x0  }
0x16: {  	s3 =	sld [smem:$0x3FDB];
	s0 =	simm.s32 @p2 $0x1  }
0x17: {  	s4 =	simm.s32 $0x1BF5;
	[smem:$0x3FB5] =	sst s0  }
0x18: {  	s0 =	sld [smem:$0x3F98];
	_ =	swait.ge [sflag:s4], $0x0  }
0x19: {  	s7 =	sld [smem:$0x3F99]  }
0x1a: {  	s8 =	sadd.s32 $0xFFFFE003, lr  }
0x1b: {  	s9 =	sadd.s32 $0xFFFFFEF7, lr;
	s5 =	simm.s32 $0xFFFFFFFF;
	p2 =	slt.u32 s8, $0xFFFFF086  }
0x1c: {  	p1 =	slt.u32 s9, $0xF7A;
	s5 =	simm.s32 @!p2 $0x0  }
0x1d: {  	s5 =	simm.s32 @p1 $0x1;
	p0 =	seq.s32 s7, s2  }
0x1e: {  	s7 =	smul.u32 @!p0 $0xF7A, s2;
	p2 =	seq.s32 @!p0 s5, $0x0  }
0x1f: {  	s9 =	smul.u32 $0xF7A, s1;
	s8 =	simm.s32 @!p0 $0x1BF5;
	p2 =	por !p2, p0  }
0x20: {  	[sflag:s8] =	ssyncset.s32 @!p0 $0xFFFFF086;
	s6 =	sadd.s32 @!p0 s3, s7;
	s7 =	simm.s32 @!p0 $0x108  }
0x21: {  	s3 =	sadd.s32 s3, s9;
	s6 =	sadd.s32 @!p0 $0x88, s6;
	s7 =	simm.s32 @p2 $0x1082  }
0x22: {  	[simem:s7], [sflag:s8] =	dma.local @!p0 [hbm:s6], $0xF7A  }
0x23: {  	s9 =	sor.u32 $0xD0000000, s2;
	s6 =	simm.s32 $0x108;
	_ =	swait.ge @!p0 [sflag:s8], $0x0  }
0x24: {  	s3 =	sadd.s32 $0x88, s3;
	s6 =	simm.s32 @!p1 $0x1082;
	[sflag:s4] =	ssyncset.s32 $0xFFFFF086  }
0x25: {  	[simem:s6], [sflag:s4] =	dma.local [hbm:s3], $0xF7A  }
0x26: {  	[smem:$0x3F99] =	sst s1;
	(tag) =	ssettag s2;
	_ =	strace s9  }
0x27: {  	s1 =	sld [smem:$0x3FA9]  }
0x28: {  	s2 =	sld [smem:$0x3FAA]  }
0x29: {  	s4 =	sld [smem:$0x3FAC]  }
0x2a: {  	p0 =	seq.s32 s5, $0x0;
	s5 =	sld [smem:$0x3FAD]  }
0x2b: {  	s6 =	sld [smem:$0x3FAE]  }
0x2c: {  	s7 =	sld [smem:$0x3FAF]  }
0x2d: {  	s3 =	simm.s32 $0x108;
	s8 =	sld [smem:$0x3FB0]  }
0x2e: {  	s3 =	simm.s32 @!p0 $0x1082;
	s9 =	sld [smem:$0x3FB1]  }
0x2f: {  	lr =	sadd.s32 s0, s3;
	s0 =	sld [smem:$0x3FA8]  }
0x30: {  	s3 =	sld [smem:$0x3FAB]  }
0x31: {  	[smem:$0x3FB4] =	sst s10  }
0x32: {  	s10 =	sld [smem:$0x3FB2];
	_ =	sdelay $0x3  }
0x33: {  	p0 =	seq.s32 s10, $0x1;
	s10 =	sld [smem:$0x3FB4];
	_ =	sdelay $0x3  }
0x34: {  	[smem:$0x3FB4] =	sst s10  }
0x35: {  	s10 =	sld [smem:$0x3FB3];
	_ =	sdelay $0x3  }
0x36: {  	p1 =	seq.s32 s10, $0x1;
	s10 =	sld [smem:$0x3FB4];
	_ =	sdelay $0x3  }
0x37: {  	[smem:$0x3FB4] =	sst s10  }
0x38: {  	s10 =	sld [smem:$0x3FB5]  }
0x39: {  	_ = 	snop;
	(pc) =	sbr.ind lr, $3  }
0x3a: {  	_ = 	snop  }
0x3b: {  	_ = 	snop  }
0x3c: {  	p2 =	seq.s32 s10, $0x1;
	s10 =	sld [smem:$0x3FB4]  }
0x3d: {  	_ =	shalt  }
0x3e: {  	_ =	shalt  }
0x3f: {  	_ =	shalt  }
0x40: {  	_ =	shalt  }
0x41: {  	_ =	shalt  }
0x42: {  	_ =	shalt  }
0x43: {  	_ =	shalt  }
0x44: {  	_ =	shalt  }
0x45: {  	_ =	shalt  }
0x46: {  	_ =	shalt  }
0x47: {  	_ =	shalt  }
0x48: {  	_ =	shalt  }
0x49: {  	_ =	shalt  }
0x4a: {  	_ =	shalt  }
0x4b: {  	_ =	shalt  }
0x4c: {  	_ =	shalt  }
0x4d: {  	_ =	shalt  }
0x4e: {  	_ =	shalt  }
0x4f: {  	_ =	shalt  }
0x50: {  	_ =	shalt  }
0x51: {  	_ =	shalt  }
0x52: {  	_ =	shalt  }
0x53: {  	_ =	shalt  }
0x54: {  	_ =	shalt  }
0x55: {  	_ =	shalt  }
0x56: {  	_ =	shalt  }
0x57: {  	_ =	shalt  }
0x58: {  	_ =	shalt  }
0x59: {  	_ =	shalt  }
0x5a: {  	_ =	shalt  }
0x5b: {  	_ =	shalt  }
0x5c: {  	_ =	shalt  }
0x5d: {  	_ =	shalt  }
0x5e: {  	_ =	shalt  }
0x5f: {  	_ =	shalt  }
0x60: {  	_ =	shalt  }
0x61: {  	_ =	shalt  }
0x62: {  	_ =	shalt  }
0x63: {  	_ =	shalt  }
0x64: {  	_ =	shalt  }
0x65: {  	_ =	shalt  }
0x66: {  	_ =	shalt  }
0x67: {  	_ =	shalt  }
0x68: {  	_ =	shalt  }
0x69: {  	_ =	shalt  }
0x6a: {  	_ =	shalt  }
0x6b: {  	_ =	shalt  }
0x6c: {  	_ =	shalt  }
0x6d: {  	_ =	shalt  }
0x6e: {  	_ =	shalt  }
0x6f: {  	_ =	shalt  }
0x70: {  	_ =	shalt  }
0x71: {  	_ =	shalt  }
0x72: {  	_ =	shalt  }
0x73: {  	_ =	shalt  }
0x74: {  	_ =	shalt  }
0x75: {  	_ =	shalt  }
0x76: {  	_ =	shalt  }
0x77: {  	_ =	shalt  }
0x78: {  	_ =	shalt  }
0x79: {  	_ =	shalt  }
0x7a: {  	_ =	shalt  }
0x7b: {  	_ =	shalt  }
0x7c: {  	_ =	shalt  }
0x7d: {  	_ =	shalt  }
0x7e: {  	_ =	shalt  }
0x7f: {  	_ =	shalt  }
0x80: {  	_ =	shalt  }
0x81: {  	_ =	shalt  }
0x82: {  	_ =	shalt  }
0x83: {  	_ =	shalt  }
0x84: {  	_ =	shalt  }
0x85: {  	_ =	shalt  }
0x86: {  	_ =	shalt  }
0x87: {  	_ =	shalt  }
.Lfunc_end0:
.L_simem_size_0:
called_computation.1_lowered:
.L_overlay_start_0:
0x88: {  	s2 =	sld [smem:$0x3FD9]  }
0x89: {  	s3 =	sld [smem:$0x3FFE];
	_ =	sdelay $0x1  }
0x8a: {  	s1 =	srdreg.scid  }
0x8b: {  	s0 =	sand.u32 $0x1, s1  }
0x8c: {  	s17 =	sshll.u32 s0, $0xA;
	s2 =	sadd.s32 s3, s2  }
0x8d: {  	s2 =	sadd.s32 s2, s17  }
0x8e: {  	[smem:$0x3FC0] =	sst s2  }
0x8f: {  	_ = 	snop  }
0x90: {  	s2 =	sld [smem:$0x3FD0];
	(tm) =	ssettm $0x1  }
0x91: {  	s18 =	sld [smem:$0x3FFB];
	_ =	sdelay $0x3  }
0x92: {  	_ =	strace s18  }
0x93: {  	s3 =	sld [smem:$0x3FFC];
	_ =	sdelay $0x3  }
0x94: {  	_ =	strace s3  }
0x95: {  	s3 =	sld [smem:$0x3FFD];
	_ =	sdelay $0x3  }
0x96: {  	_ =	strace s3  }
0x97: {  	_ =	strace $0x8FFFFFFF  }
0x98: {  	s19 =	sld [smem:$0x3FDB];
	_ =	sdelay $0x1  }
0x99: {  	s4 =	simm.s32 $_scs_section_size  }
0x9a: {  	s5 =	simm.s32 $_size__tile_overlayer_lowered;
	s6 =	simm.s32 $_tile_overlayer_lowered  }
0x9b: {  	s22 =	simm.s32 $0x1BFF;
	s21 =	sshll.u32 s6, $0x1;
	s3 =	sadd.s32 s4, s19  }
0x9c: {  	s7 =	simm.s32 $0x0;
	s20 =	sshll.u32 s5, $0x1;
	s5 =	sadd.s32 s21, s3  }
0x9d: {  	[timem:s7], [sflag:s22] =	dma.local [hbm:s5], s20  }
0x9e: {  	_ =	swait.ge [sflag:s22], s20  }
0x9f: {  	s4 =	ssub.s32 $0x0, s20;
	[sflag:s22] =	ssyncset.done $0x0  }
0xa0: {  	[sflag:s22] =	ssyncadd.s32 s4;
	_ =	sdelay $0x1  }
0xa1: {  	s23 =	simm.s32 $0x1B8B  }
0xa2: {  	_ =	swait.ge [sflag:s23], $0x1  }
0xa3: {  	[sflag:s23] =	ssyncset.done $0x0  }
0xa4: {  	s25 =	simm.s32 $0x1B8E;
	s24 =	sld [smem:$0x3FFE];
	[sflag:s23] =	ssyncadd.s32 $0xFFFFFFFF  }
0xa5: {  	s26 =	simm.s32 $execute0_lowered;
	[smem:$0x3FD2] =	sst s25  }
0xa6: {  	s5 =	sshll.u32 s26, $0x1;
	_ =	strace $0x80000049;
	[dreg:$0x1] =	wrdreg $0xFFFFFFFF  }
0xa7: {  	s28 =	simm.s32 $_size_execute0_lowered;
	s3 =	sadd.s32 s3, s5;
	[dreg:$0x0] =	wrdreg $0x0  }
0xa8: {  	s5 =	sshll.u32 s28, $0x1;
	[dreg:$0x2] =	wrdreg s3  }
0xa9: {  	[dreg:$0x3] =	wrdreg s5  }
0xaa: {  	[dreg:$0x4] =	wrdreg $0xC0  }
0xab: {  	_ =	task [dreg:s7], $0x5FFFF  }
0xac: {  	[dreg:$0x1] =	wrdreg $0xFFFFFFFF  }
0xad: {  	[dreg:$0x0] =	wrdreg $0x60  }
0xae: {  	[dreg:$0x2] =	wrdreg s2  }
0xaf: {  	[dreg:$0x3] =	wrdreg s24  }
0xb0: {  	[dreg:$0x4] =	wrdreg $0x98000  }
0xb1: {  	[dreg:$0x5] =	wrdreg $0x9  }
0xb2: {  	_ =	task.clear_ibuf [dreg:s7], $0x6FFFF;
	_ =	strace $0x90000049  }
0xb3: {  	s29 =	simm.s32 $0x9;
	_ =	strace $0x8000004B  }
0xb4: {  	_ =	swait.ge [sflag:s29], $0x1  }
0xb5: {  	[sflag:s29] =	ssyncadd.s32 $0xFFFFFFFF  }
0xb6: {  	_ =	strace $0x9000004B  }
0xb7: {  	_ =	sfence  }
0xb8: {  	s30 =	sld [smem:$0x0];
	_ =	sdelay $0x2  }
0xb9: {  	s31 =	sshll.u32 s1, $0xD;
	s1 =	sshrl.u32 s1, $0x2  }
0xba: {  	s3 =	sand.u32 $0x4000, s31;
	s1 =	sadd.s32 s1, s30  }
0xbb: {  	s0 =	sor.u32 s3, s0;
	s1 =	sshll.u32 s1, $0x11  }
0xbc: {  	s0 =	sor.u32 s1, s0  }
0xbd: {  	s0 =	sadd.s32 $0x8F2B, s0  }
0xbe: {  	[sflag:s0] =	ssyncadd.remote.s32 $0x1  }
0xbf: {  	_ =	sfence.sel $0xFFFF  }
0xc0: {  	[dreg:$0x0] =	wrdreg $0xFFFFFFFF;
	(pc) =	sbr.abs _section_cstart, $3  }
0xc1: {  	[dreg:$0x1] =	wrdreg $0xFFFFFFFF  }
0xc2: {  	_ =	task.clear_ibuf [dreg:s7], $0x2FFFF;
	_ =	strace $0x9FFFFFFF  }
0xc3: {  	(tm) =	ssettm $0x7FFFFFFF  }
tec
execute0_lowered:
.L_overlay_start_1:
0x0: {  	(tag) =	ssettag $0x1  }
0x1: {  	s1 =	rddreg [dreg:$0x0]  }
0x2: {  	s6 =	rddreg [dreg:$0x1]  }
0x3: {  	s0 =	srdreg.scid;
	s3 =	rddreg [dreg:$0x2]  }
0x4: {  	s4 =	simm.s32 $0x0;
	s11 =	simm.s32 $0x2800;
	s12 =	simm.s32 $0x80  }
0x5: {  	s13 =	simm.s32 $0x5000;
	s5 =	sand.u32 $0x1, s0;
	s0 =	stileid.u32  }
0x6: {  	s14 =	simm.s32 $0x1;
	[smem:$0x7FF] =	sst s4;
	s8 =	smul.u32 $0x50000, s0  }
0x7: {  	s2 =	sshll.u32 s5, $0x4;
	s9 =	smul.u32 $0x28000, s5;
	s5 =	ssub.s32 $0x2, s5  }
0x8: {  	s16 =	smul.u32 $0x2800, s0;
	s17 =	sshll.u32 s0, $0x6;
	s7 =	sor.u32 s0, s2  }
0x9: {  	s2 =	rddreg [dreg:$0x3];
	_ =	strace $0x8000004A;
	s10 =	sshrl.u32 s5, $0x1  }
0xa: {  	s7 =	smul.u32 $0x500, s7;
	s8 =	sshrl.u32 s8, $0x2;
	s9 =	sadd.s32 s9, s6  }
0xb: {  	s10 =	ssub.s32 s5, s10;
	s5 =	sadd.s32 s8, s3;
	s15 =	sadd.s32 $0x66A00, s9  }
0xc: {  	s8 =	smax.u32 s10, $0x1;
	s9 =	simm.s32 $0x9000;
	s10 =	simm.s32 $0x2  }
0xd: {  	s7 =	sadd.s32 s7, s6;
	s15 =	sadd.s32 s16, s15;
	s16 =	sor.u32 $0x1C02, s17  }
0xe: {  	v0 =	vimm.f32 $0.0e+00;
	s17 =	sshrl.u32 s5, $0x3;
	s6 =	sadd.s32 $0x5CA00, s7;
	s7 =	sadd.s32 $0x2A00, s7  }
.LBB2_1:
0xf: {  	s18 =	simm.s32 $0x0;
	s19 =	simm.s32 $0x200  }
.LBB2_2:
0x10: {  	p0 =	sne.s32 s19, $0x1E00;
	[tilespmem:s18+$0x9070] =	vst v0  }
0x11: {  	[tilespmem:s18+$0x9000] =	vst v0  }
0x12: {  	[tilespmem:s18+$0x9010] =	vst v0  }
.Ltmp0:
0x13: {  	[tilespmem:s18+$0x9020] =	vst v0;
	(pc) =	sbr.rel @p0 .LBB2_2-.Ltmp0, $4  }
0x14: {  	[tilespmem:s18+$0x9030] =	vst v0  }
0x15: {  	[tilespmem:s18+$0x9040] =	vst v0  }
0x16: {  	[tilespmem:s18+$0x9050] =	vst v0  }
0x17: {  	[tilespmem:s18+$0x9060] =	vst v0;
	s18 =	sshra.s32 s19, $0x2;
	s19 =	sadd.s32 $0x200, s19  }
0x18: {  	[tilespmem:s18+$0x9070] =	vst v0  }
0x19: {  	[tilespmem:s18+$0x9000] =	vst v0  }
0x1a: {  	[tilespmem:s18+$0x9010] =	vst v0  }
0x1b: {  	[tilespmem:s18+$0x9020] =	vst v0  }
0x1c: {  	[tilespmem:s18+$0x9030] =	vst v0  }
0x1d: {  	[tilespmem:s18+$0x9040] =	vst v0  }
0x1e: {  	[tilespmem:s18+$0x9050] =	vst v0  }
0x1f: {  	[tilespmem:s18+$0x9060] =	vst v0;
	s31 =	sadd.s32 $0x0, s5  }
0x20: {  	[spmem:s31] =	stream.linear.scatter [tilespmem:s9], [sflag:$0x2], $0x800, $0x38;
	[tilespmem:$0x1D800] =	vst v63  }
0x21: {  	s18 =	simm.s32 $0x2000;
	_ =	swait.ge [sflag:s10], $0x800  }
.LBB2_4:
0x22: {  	s19 =	sshra.s32 s18, $0x2;
	[sflag:s10] =	ssyncset.done $0x0;
	p0 =	sne.s32 s18, $0x4E000  }
.Ltmp1:
0x23: {  	s19 =	sadd.s32 s19, s5;
	[sflag:s10] =	ssyncadd.s32 $0xFFFFF800;
	(pc) =	sbr.rel @p0 .LBB2_4-.Ltmp1, $3  }
0x24: {  	[spmem:s19] =	stream.linear.scatter [tilespmem:s9], [sflag:$0x2], $0x800, $0x38;
	[tilespmem:$0x1D800] =	vst v63  }
0x25: {  	s18 =	sadd.s32 $0x2000, s18;
	_ =	sdelay $0x1  }
0x26: {  	_ =	swait.ge [sflag:s10], $0x800  }
0x27: {  	[sflag:s10] =	ssyncset.done $0x0  }
0x28: {  	s18 =	simm.s32 $0x0;
	[sflag:s10] =	ssyncadd.s32 $0xFFFFF800  }
0x29: {  	[tilespmem:s18], [sflag:$0x2] =	stream.linear.gather [hbm4b:s6+s18], $0x2780, $0x38;
	[tilespmem:$0x1D800] =	vst v63  }
0x2a: {  	_ =	swait.ge [sflag:s10], $0x2780  }
0x2b: {  	[sflag:s10] =	ssyncset.done $0x0  }
0x2c: {  	[sflag:s10] =	ssyncadd.s32 $0xFFFFD880  }
0x2d: {  	[tilespmem:s11], [sflag:$0x2] =	stream.linear.gather [hbm4b:s7+s18], $0x2780, $0x38;
	[tilespmem:$0x1D800] =	vst v63  }
0x2e: {  	_ =	swait.ge [sflag:s10], $0x2780  }
0x2f: {  	[sflag:s10] =	ssyncset.done $0x0  }
0x30: {  	[sflag:s10] =	ssyncadd.s32 $0xFFFFD880  }
0x31: {  	s30 =	simm.s32 $0x0;
	[bflag:$0x0] =	sbarrier.arrive $0xFFFF  }
0x32: {  	[tilespmem:s13], [sflag:$0x1] =	stream.indirect.gather [hbm4b:s1+s12], $0x80, s30, s12, $0xb8;
	[tilespmem:$0x1D800] =	vst v63  }
0x33: {  	_ =	swait.ge [sflag:s14], $0x4000  }
0x34: {  	[sflag:s14] =	ssyncset.done $0x0  }
0x35: {  	s31 =	simm.s32 $0x2800;
	[sflag:s14] =	ssyncadd.s32 $0xFFFFC000  }
0x36: {  	[spmem:s3] =	stream.indirect.scatter.add.f32 [tilespmem:s13], [sflag:$0x2], $0x80, s31, s12, $0xb8;
	[tilespmem:$0x1D800] =	vst v63  }
0x37: {  	_ =	swait.ge [sflag:s10], $0x4000  }
0x38: {  	s19 =	simm.s32 $0x400;
	s18 =	simm.s32 $0x200;
	[sflag:s10] =	ssyncset.done $0x0  }
.LBB2_6:
0x39: {  	s20 =	sshra.s32 s18, $0x2  }
0x3a: {  	[sflag:s10] =	ssyncadd.s32 $0xFFFFC000;
	s18 =	smov.u32 s19;
	s21 =	sadd.s32 $0x200, s19  }
0x3b: {  	[tilespmem:s13], [sflag:$0x1] =	stream.indirect.gather [hbm4b:s1+s12], $0x80, s20, s12, $0xb8;
	[tilespmem:$0x1D800] =	vst v63  }
0x3c: {  	p0 =	sne.s32 s19, $0x9C00;
	_ =	swait.ge [sflag:s14], $0x4000  }
.Ltmp2:
0x3d: {  	[sflag:s14] =	ssyncset.done $0x0;
	(pc) =	sbr.rel @p0 .LBB2_6-.Ltmp2, $4  }
0x3e: {  	s19 =	sadd.s32 $0x2800, s20;
	[sflag:s14] =	ssyncadd.s32 $0xFFFFC000  }
0x3f: {  	[spmem:s3] =	stream.indirect.scatter.add.f32 [tilespmem:s13], [sflag:$0x2], $0x80, s19, s12, $0xb8;
	[tilespmem:$0x1D800] =	vst v63  }
0x40: {  	_ =	swait.ge [sflag:s10], $0x4000  }
0x41: {  	s19 =	smov.u32 s21;
	[sflag:s10] =	ssyncset.done $0x0  }
0x42: {  	s18 =	sshra.s32 s18, $0x2;
	[sflag:s10] =	ssyncadd.s32 $0xFFFFC000  }
0x43: {  	[tilespmem:s13], [sflag:$0x1] =	stream.indirect.gather [hbm4b:s1+s12], $0x80, s18, s12, $0xb8;
	[tilespmem:$0x1D800] =	vst v63  }
0x44: {  	_ =	swait.ge [sflag:s14], $0x4000  }
0x45: {  	[sflag:s14] =	ssyncset.done $0x0  }
0x46: {  	s18 =	sadd.s32 $0x2800, s18;
	[sflag:s14] =	ssyncadd.s32 $0xFFFFC000  }
0x47: {  	[spmem:s3] =	stream.indirect.scatter.add.f32 [tilespmem:s13], [sflag:$0x2], $0x80, s18, s12, $0xb8;
	[tilespmem:$0x1D800] =	vst v63  }
0x48: {  	_ =	swait.ge [sflag:s10], $0x4000  }
0x49: {  	s4 =	sadd.s32 $0x1, s4;
	[sflag:s10] =	ssyncset.done $0x0  }
0x4a: {  	p0 =	sne.s32 s4, s8;
	[sflag:s10] =	ssyncadd.s32 $0xFFFFC000  }
.Ltmp3:
0x4b: {  	[bflag:$0x0] =	sbarrier.arrive $0xFFFF;
	(pc) =	sbr.rel @p0 .LBB2_1-.Ltmp3, $4  }
0x4c: {  	[hbm:s15], [sflag:s16] =	dma.local [spmem:s17], $0x2800  }
0x4d: {  	_ =	swait.ge [sflag:s10], $0x2800  }
0x4e: {  	[sflag:s10] =	ssyncset.done $0x0  }
0x4f: {  	[sflag:s10] =	ssyncadd.s32 $0xFFFFD800  }
0x50: {  	_ =	sfence.sel $0x180000  }
0x51: {  	[bflag:$0x0] =	sbarrier.arrive $0xFFFF  }
0x52: {  	p0 =	sne.s32 s0, $0x0;
	_ =	strace $0x9000004A  }
0x53: {  	s0 =	sadd.s32 @!p0 $0x100000, s2;
	[bflag:$0x2] =	sbarrier.arrive $0xFFFF  }
0x54: {  	[sflag:s0] =	ssyncadd.tile.s32 @!p0 $0x1;
	_ =	shalt  }
.Lfunc_end2:
_tile_overlayer_lowered:
.L_overlay_start_2:
0x55: {  	(tag) =	ssettag $0x2  }
0x56: {  	s0 =	rddreg [dreg:$0x0];
	s2 =	stileid.u32  }
0x57: {  	s1 =	rddreg [dreg:$0x1];
	p0 =	sne.s32 s2, $0x0  }
0x58: {  	s3 =	rddreg [dreg:$0x2];
	[bflag:$0x3] =	sbarrier.arrive $0xFFFF;
	s2 =	simm.s32 @!p0 $0x1C02  }
0x59: {  	[timem:s3], [sflag:s2] =	dma.local @!p0 [hbm:s0], s1  }
0x5a: {  	s0 =	simm.s32 @!p0 $0x2  }
0x5b: {  	_ =	swait.ge @!p0 [sflag:s0], s1  }
0x5c: {  	s1 =	ssub.s32 @!p0 $0x0, s1;
	[sflag:s0] =	ssyncset.done @!p0 $0x0  }
0x5d: {  	[sflag:s0] =	ssyncadd.s32 @!p0 s1  }
0x5e: {  	[bflag:$0x3] =	sbarrier.arrive $0xFFFF  }
0x5f: {  	_ =	shalt  }

// kernel: kernel.15.cloned.1.call-start
scs
__scs_entry_jumppad:
0x0: {  	(pc) =	sbr.rel $0x88, $3  }
0x1: {  	(tag) =	ssettag $0x0;
	lr =	simm.s32 $0x1  }
0x2: {  	[smem:$0x3F99] =	sst lr;
	_ =	strace $0xD0000000  }
0x3: {  	_ = 	snop  }
0x4: {  	_ = 	snop  }
0x5: {  	_ = 	snop  }
0x6: {  	_ = 	snop  }
0x7: {  	_ = 	snop  }
__scs_overlays_trampoline_lowered:
0x8: {  	[smem:$0x3FA8] =	sst s0  }
0x9: {  	[smem:$0x3FA9] =	sst s1  }
0xa: {  	[smem:$0x3FAA] =	sst s2  }
0xb: {  	[smem:$0x3FAB] =	sst s3  }
0xc: {  	[smem:$0x3FAC] =	sst s4  }
0xd: {  	[smem:$0x3FAD] =	sst s5  }
0xe: {  	[smem:$0x3FAE] =	sst s6  }
0xf: {  	[smem:$0x3FAF] =	sst s7  }
0x10: {  	[smem:$0x3FB0] =	sst s8  }
0x11: {  	[smem:$0x3FB1] =	sst s9;
	s0 =	simm.s32 @!p0 $0x0  }
0x12: {  	s1 =	sld [smem:$0x3F97];
	s0 =	simm.s32 @p0 $0x1  }
0x13: {  	[smem:$0x3FB2] =	sst s0;
	s0 =	simm.s32 @!p1 $0x0  }
0x14: {  	s2 =	sld [smem:$0x3F96];
	s0 =	simm.s32 @p1 $0x1  }
0x15: {  	[smem:$0x3FB3] =	sst s0;
	s0 =	simm.s32 @!p2 $0x0  }
0x16: {  	s3 =	sld [smem:$0x3FDB];
	s0 =	simm.s32 @p2 $0x1  }
0x17: {  	s4 =	simm.s32 $0x1BF5;
	[smem:$0x3FB5] =	sst s0  }
0x18: {  	s0 =	sld [smem:$0x3F98];
	_ =	swait.ge [sflag:s4], $0x0  }
0x19: {  	s7 =	sld [smem:$0x3F99]  }
0x1a: {  	s8 =	sadd.s32 $0xFFFFE003, lr  }
0x1b: {  	s9 =	sadd.s32 $0xFFFFFEF7, lr;
	s5 =	simm.s32 $0xFFFFFFFF;
	p2 =	slt.u32 s8, $0xFFFFF086  }
0x1c: {  	p1 =	slt.u32 s9, $0xF7A;
	s5 =	simm.s32 @!p2 $0x0  }
0x1d: {  	s5 =	simm.s32 @p1 $0x1;
	p0 =	seq.s32 s7, s2  }
0x1e: {  	s7 =	smul.u32 @!p0 $0xF7A, s2;
	p2 =	seq.s32 @!p0 s5, $0x0  }
0x1f: {  	s9 =	smul.u32 $0xF7A, s1;
	s8 =	simm.s32 @!p0 $0x1BF5;
	p2 =	por !p2, p0  }
0x20: {  	[sflag:s8] =	ssyncset.s32 @!p0 $0xFFFFF086;
	s6 =	sadd.s32 @!p0 s3, s7;
	s7 =	simm.s32 @!p0 $0x108  }
0x21: {  	s3 =	sadd.s32 s3, s9;
	s6 =	sadd.s32 @!p0 $0x88, s6;
	s7 =	simm.s32 @p2 $0x1082  }
0x22: {  	[simem:s7], [sflag:s8] =	dma.local @!p0 [hbm:s6], $0xF7A  }
0x23: {  	s9 =	sor.u32 $0xD0000000, s2;
	s6 =	simm.s32 $0x108;
	_ =	swait.ge @!p0 [sflag:s8], $0x0  }
0x24: {  	s3 =	sadd.s32 $0x88, s3;
	s6 =	simm.s32 @!p1 $0x1082;
	[sflag:s4] =	ssyncset.s32 $0xFFFFF086  }
0x25: {  	[simem:s6], [sflag:s4] =	dma.local [hbm:s3], $0xF7A  }
0x26: {  	[smem:$0x3F99] =	sst s1;
	(tag) =	ssettag s2;
	_ =	strace s9  }
0x27: {  	s1 =	sld [smem:$0x3FA9]  }
0x28: {  	s2 =	sld [smem:$0x3FAA]  }
0x29: {  	s4 =	sld [smem:$0x3FAC]  }
0x2a: {  	p0 =	seq.s32 s5, $0x0;
	s5 =	sld [smem:$0x3FAD]  }
0x2b: {  	s6 =	sld [smem:$0x3FAE]  }
0x2c: {  	s7 =	sld [smem:$0x3FAF]  }
0x2d: {  	s3 =	simm.s32 $0x108;
	s8 =	sld [smem:$0x3FB0]  }
0x2e: {  	s3 =	simm.s32 @!p0 $0x1082;
	s9 =	sld [smem:$0x3FB1]  }
0x2f: {  	lr =	sadd.s32 s0, s3;
	s0 =	sld [smem:$0x3FA8]  }
0x30: {  	s3 =	sld [smem:$0x3FAB]  }
0x31: {  	[smem:$0x3FB4] =	sst s10  }
0x32: {  	s10 =	sld [smem:$0x3FB2];
	_ =	sdelay $0x3  }
0x33: {  	p0 =	seq.s32 s10, $0x1;
	s10 =	sld [smem:$0x3FB4];
	_ =	sdelay $0x3  }
0x34: {  	[smem:$0x3FB4] =	sst s10  }
0x35: {  	s10 =	sld [smem:$0x3FB3];
	_ =	sdelay $0x3  }
0x36: {  	p1 =	seq.s32 s10, $0x1;
	s10 =	sld [smem:$0x3FB4];
	_ =	sdelay $0x3  }
0x37: {  	[smem:$0x3FB4] =	sst s10  }
0x38: {  	s10 =	sld [smem:$0x3FB5]  }
0x39: {  	_ = 	snop;
	(pc) =	sbr.ind lr, $3  }
0x3a: {  	_ = 	snop  }
0x3b: {  	_ = 	snop  }
0x3c: {  	p2 =	seq.s32 s10, $0x1;
	s10 =	sld [smem:$0x3FB4]  }
0x3d: {  	_ =	shalt  }
0x3e: {  	_ =	shalt  }
0x3f: {  	_ =	shalt  }
0x40: {  	_ =	shalt  }
0x41: {  	_ =	shalt  }
0x42: {  	_ =	shalt  }
0x43: {  	_ =	shalt  }
0x44: {  	_ =	shalt  }
0x45: {  	_ =	shalt  }
0x46: {  	_ =	shalt  }
0x47: {  	_ =	shalt  }
0x48: {  	_ =	shalt  }
0x49: {  	_ =	shalt  }
0x4a: {  	_ =	shalt  }
0x4b: {  	_ =	shalt  }
0x4c: {  	_ =	shalt  }
0x4d: {  	_ =	shalt  }
0x4e: {  	_ =	shalt  }
0x4f: {  	_ =	shalt  }
0x50: {  	_ =	shalt  }
0x51: {  	_ =	shalt  }
0x52: {  	_ =	shalt  }
0x53: {  	_ =	shalt  }
0x54: {  	_ =	shalt  }
0x55: {  	_ =	shalt  }
0x56: {  	_ =	shalt  }
0x57: {  	_ =	shalt  }
0x58: {  	_ =	shalt  }
0x59: {  	_ =	shalt  }
0x5a: {  	_ =	shalt  }
0x5b: {  	_ =	shalt  }
0x5c: {  	_ =	shalt  }
0x5d: {  	_ =	shalt  }
0x5e: {  	_ =	shalt  }
0x5f: {  	_ =	shalt  }
0x60: {  	_ =	shalt  }
0x61: {  	_ =	shalt  }
0x62: {  	_ =	shalt  }
0x63: {  	_ =	shalt  }
0x64: {  	_ =	shalt  }
0x65: {  	_ =	shalt  }
0x66: {  	_ =	shalt  }
0x67: {  	_ =	shalt  }
0x68: {  	_ =	shalt  }
0x69: {  	_ =	shalt  }
0x6a: {  	_ =	shalt  }
0x6b: {  	_ =	shalt  }
0x6c: {  	_ =	shalt  }
0x6d: {  	_ =	shalt  }
0x6e: {  	_ =	shalt  }
0x6f: {  	_ =	shalt  }
0x70: {  	_ =	shalt  }
0x71: {  	_ =	shalt  }
0x72: {  	_ =	shalt  }
0x73: {  	_ =	shalt  }
0x74: {  	_ =	shalt  }
0x75: {  	_ =	shalt  }
0x76: {  	_ =	shalt  }
0x77: {  	_ =	shalt  }
0x78: {  	_ =	shalt  }
0x79: {  	_ =	shalt  }
0x7a: {  	_ =	shalt  }
0x7b: {  	_ =	shalt  }
0x7c: {  	_ =	shalt  }
0x7d: {  	_ =	shalt  }
0x7e: {  	_ =	shalt  }
0x7f: {  	_ =	shalt  }
0x80: {  	_ =	shalt  }
0x81: {  	_ =	shalt  }
0x82: {  	_ =	shalt  }
0x83: {  	_ =	shalt  }
0x84: {  	_ =	shalt  }
0x85: {  	_ =	shalt  }
0x86: {  	_ =	shalt  }
0x87: {  	_ =	shalt  }
.Lfunc_end0:
.L_simem_size_0:
called_computation.2_lowered:
.L_overlay_start_0:
0x88: {  	s2 =	sld [smem:$0x3FD9]  }
0x89: {  	s3 =	sld [smem:$0x3FFE];
	_ =	sdelay $0x1  }
0x8a: {  	s1 =	srdreg.scid  }
0x8b: {  	s0 =	sand.u32 $0x1, s1  }
0x8c: {  	s17 =	sshll.u32 s0, $0xA;
	s2 =	sadd.s32 s3, s2  }
0x8d: {  	s2 =	sadd.s32 s2, s17  }
0x8e: {  	[smem:$0x3FC0] =	sst s2  }
0x8f: {  	_ = 	snop  }
0x90: {  	s2 =	sld [smem:$0x3FD0];
	(tm) =	ssettm $0x1  }
0x91: {  	s18 =	sld [smem:$0x3FFB];
	_ =	sdelay $0x3  }
0x92: {  	_ =	strace s18  }
0x93: {  	s3 =	sld [smem:$0x3FFC];
	_ =	sdelay $0x3  }
0x94: {  	_ =	strace s3  }
0x95: {  	s3 =	sld [smem:$0x3FFD];
	_ =	sdelay $0x3  }
0x96: {  	_ =	strace s3  }
0x97: {  	_ =	strace $0x8FFFFFFF  }
0x98: {  	s19 =	sld [smem:$0x3FDB];
	_ =	sdelay $0x1  }
0x99: {  	s4 =	simm.s32 $_scs_section_size  }
0x9a: {  	s5 =	simm.s32 $_size__tile_overlayer_lowered;
	s6 =	simm.s32 $_tile_overlayer_lowered  }
0x9b: {  	s22 =	simm.s32 $0x1BFF;
	s21 =	sshll.u32 s6, $0x1;
	s3 =	sadd.s32 s4, s19  }
0x9c: {  	s7 =	simm.s32 $0x0;
	s20 =	sshll.u32 s5, $0x1;
	s5 =	sadd.s32 s21, s3  }
0x9d: {  	[timem:s7], [sflag:s22] =	dma.local [hbm:s5], s20  }
0x9e: {  	_ =	swait.ge [sflag:s22], s20  }
0x9f: {  	s4 =	ssub.s32 $0x0, s20;
	[sflag:s22] =	ssyncset.done $0x0  }
0xa0: {  	[sflag:s22] =	ssyncadd.s32 s4;
	_ =	sdelay $0x1  }
0xa1: {  	s23 =	simm.s32 $0x1B8B  }
0xa2: {  	_ =	swait.ge [sflag:s23], $0x1  }
0xa3: {  	[sflag:s23] =	ssyncset.done $0x0  }
0xa4: {  	s25 =	simm.s32 $0x1B8E;
	s24 =	sld [smem:$0x3FFE];
	[sflag:s23] =	ssyncadd.s32 $0xFFFFFFFF  }
0xa5: {  	s26 =	simm.s32 $execute0_lowered;
	[smem:$0x3FD2] =	sst s25  }
0xa6: {  	s5 =	sshll.u32 s26, $0x1;
	_ =	strace $0x8000004C;
	[dreg:$0x1] =	wrdreg $0xFFFFFFFF  }
0xa7: {  	s28 =	simm.s32 $_size_execute0_lowered;
	s3 =	sadd.s32 s3, s5;
	[dreg:$0x0] =	wrdreg $0x0  }
0xa8: {  	s5 =	sshll.u32 s28, $0x1;
	[dreg:$0x2] =	wrdreg s3  }
0xa9: {  	[dreg:$0x3] =	wrdreg s5  }
0xaa: {  	[dreg:$0x4] =	wrdreg $0xC0  }
0xab: {  	_ =	task [dreg:s7], $0x5FFFF  }
0xac: {  	[dreg:$0x1] =	wrdreg $0xFFFFFFFF  }
0xad: {  	[dreg:$0x0] =	wrdreg $0x60  }
0xae: {  	[dreg:$0x2] =	wrdreg s2  }
0xaf: {  	[dreg:$0x3] =	wrdreg s24  }
0xb0: {  	[dreg:$0x4] =	wrdreg $0x98000  }
0xb1: {  	[dreg:$0x5] =	wrdreg $0x9  }
0xb2: {  	_ =	task.clear_ibuf [dreg:s7], $0x6FFFF;
	_ =	strace $0x9000004C  }
0xb3: {  	s29 =	simm.s32 $0x9;
	_ =	strace $0x8000004E  }
0xb4: {  	_ =	swait.ge [sflag:s29], $0x1  }
0xb5: {  	[sflag:s29] =	ssyncadd.s32 $0xFFFFFFFF  }
0xb6: {  	_ =	strace $0x9000004E  }
0xb7: {  	_ =	sfence  }
0xb8: {  	s30 =	sld [smem:$0x0];
	_ =	sdelay $0x2  }
0xb9: {  	s31 =	sshll.u32 s1, $0xD;
	s1 =	sshrl.u32 s1, $0x2  }
0xba: {  	s3 =	sand.u32 $0x4000, s31;
	s1 =	sadd.s32 s1, s30  }
0xbb: {  	s0 =	sor.u32 s3, s0;
	s1 =	sshll.u32 s1, $0x11  }
0xbc: {  	s0 =	sor.u32 s1, s0  }
0xbd: {  	s0 =	sadd.s32 $0x8F2B, s0  }
0xbe: {  	[sflag:s0] =	ssyncadd.remote.s32 $0x1  }
0xbf: {  	_ =	sfence.sel $0xFFFF  }
0xc0: {  	[dreg:$0x0] =	wrdreg $0xFFFFFFFF;
	(pc) =	sbr.abs _section_cstart, $3  }
0xc1: {  	[dreg:$0x1] =	wrdreg $0xFFFFFFFF  }
0xc2: {  	_ =	task.clear_ibuf [dreg:s7], $0x2FFFF;
	_ =	strace $0x9FFFFFFF  }
0xc3: {  	(tm) =	ssettm $0x7FFFFFFF  }
tec
execute0_lowered:
.L_overlay_start_1:
0x0: {  	(tag) =	ssettag $0x1  }
0x1: {  	s1 =	rddreg [dreg:$0x0]  }
0x2: {  	s6 =	rddreg [dreg:$0x1]  }
0x3: {  	s0 =	srdreg.scid;
	s3 =	rddreg [dreg:$0x2]  }
0x4: {  	s4 =	simm.s32 $0x0;
	s11 =	simm.s32 $0x2800;
	s12 =	simm.s32 $0x80  }
0x5: {  	s13 =	simm.s32 $0x5000;
	s5 =	sand.u32 $0x1, s0;
	s0 =	stileid.u32  }
0x6: {  	s14 =	simm.s32 $0x1;
	[smem:$0x7FF] =	sst s4;
	s8 =	smul.u32 $0x50000, s0  }
0x7: {  	s2 =	sshll.u32 s5, $0x4;
	s9 =	smul.u32 $0x28000, s5;
	s5 =	ssub.s32 $0x2, s5  }
0x8: {  	s16 =	smul.u32 $0x2800, s0;
	s17 =	sshll.u32 s0, $0x6;
	s7 =	sor.u32 s0, s2  }
0x9: {  	s2 =	rddreg [dreg:$0x3];
	_ =	strace $0x8000004D;
	s10 =	sshrl.u32 s5, $0x1  }
0xa: {  	s7 =	smul.u32 $0x500, s7;
	s8 =	sshrl.u32 s8, $0x2;
	s9 =	sadd.s32 s9, s6  }
0xb: {  	s10 =	ssub.s32 s5, s10;
	s5 =	sadd.s32 s8, s3;
	s15 =	sadd.s32 $0x66A00, s9  }
0xc: {  	s8 =	smax.u32 s10, $0x1;
	s9 =	simm.s32 $0x9000;
	s10 =	simm.s32 $0x2  }
0xd: {  	s7 =	sadd.s32 s7, s6;
	s15 =	sadd.s32 s16, s15;
	s16 =	sor.u32 $0x1C02, s17  }
0xe: {  	v0 =	vimm.f32 $0.0e+00;
	s17 =	sshrl.u32 s5, $0x3;
	s6 =	sadd.s32 $0x5CA00, s7;
	s7 =	sadd.s32 $0x2A00, s7  }
.LBB2_1:
0xf: {  	s18 =	simm.s32 $0x0;
	s19 =	simm.s32 $0x200  }
.LBB2_2:
0x10: {  	p0 =	sne.s32 s19, $0x1E00;
	[tilespmem:s18+$0x9070] =	vst v0  }
0x11: {  	[tilespmem:s18+$0x9000] =	vst v0  }
0x12: {  	[tilespmem:s18+$0x9010] =	vst v0  }
.Ltmp0:
0x13: {  	[tilespmem:s18+$0x9020] =	vst v0;
	(pc) =	sbr.rel @p0 .LBB2_2-.Ltmp0, $4  }
0x14: {  	[tilespmem:s18+$0x9030] =	vst v0  }
0x15: {  	[tilespmem:s18+$0x9040] =	vst v0  }
0x16: {  	[tilespmem:s18+$0x9050] =	vst v0  }
0x17: {  	[tilespmem:s18+$0x9060] =	vst v0;
	s18 =	sshra.s32 s19, $0x2;
	s19 =	sadd.s32 $0x200, s19  }
0x18: {  	[tilespmem:s18+$0x9070] =	vst v0  }
0x19: {  	[tilespmem:s18+$0x9000] =	vst v0  }
0x1a: {  	[tilespmem:s18+$0x9010] =	vst v0  }
0x1b: {  	[tilespmem:s18+$0x9020] =	vst v0  }
0x1c: {  	[tilespmem:s18+$0x9030] =	vst v0  }
0x1d: {  	[tilespmem:s18+$0x9040] =	vst v0  }
0x1e: {  	[tilespmem:s18+$0x9050] =	vst v0  }
0x1f: {  	[tilespmem:s18+$0x9060] =	vst v0;
	s31 =	sadd.s32 $0x0, s5  }
0x20: {  	[spmem:s31] =	stream.linear.scatter [tilespmem:s9], [sflag:$0x2], $0x800, $0x38;
	[tilespmem:$0x1D800] =	vst v63  }
0x21: {  	s18 =	simm.s32 $0x2000;
	_ =	swait.ge [sflag:s10], $0x800  }
.LBB2_4:
0x22: {  	s19 =	sshra.s32 s18, $0x2;
	[sflag:s10] =	ssyncset.done $0x0;
	p0 =	sne.s32 s18, $0x4E000  }
.Ltmp1:
0x23: {  	s19 =	sadd.s32 s19, s5;
	[sflag:s10] =	ssyncadd.s32 $0xFFFFF800;
	(pc) =	sbr.rel @p0 .LBB2_4-.Ltmp1, $3  }
0x24: {  	[spmem:s19] =	stream.linear.scatter [tilespmem:s9], [sflag:$0x2], $0x800, $0x38;
	[tilespmem:$0x1D800] =	vst v63  }
0x25: {  	s18 =	sadd.s32 $0x2000, s18;
	_ =	sdelay $0x1  }
0x26: {  	_ =	swait.ge [sflag:s10], $0x800  }
0x27: {  	[sflag:s10] =	ssyncset.done $0x0  }
0x28: {  	s18 =	simm.s32 $0x0;
	[sflag:s10] =	ssyncadd.s32 $0xFFFFF800  }
0x29: {  	[tilespmem:s18], [sflag:$0x2] =	stream.linear.gather [hbm4b:s6+s18], $0x2780, $0x38;
	[tilespmem:$0x1D800] =	vst v63  }
0x2a: {  	_ =	swait.ge [sflag:s10], $0x2780  }
0x2b: {  	[sflag:s10] =	ssyncset.done $0x0  }
0x2c: {  	[sflag:s10] =	ssyncadd.s32 $0xFFFFD880  }
0x2d: {  	[tilespmem:s11], [sflag:$0x2] =	stream.linear.gather [hbm4b:s7+s18], $0x2780, $0x38;
	[tilespmem:$0x1D800] =	vst v63  }
0x2e: {  	_ =	swait.ge [sflag:s10], $0x2780  }
0x2f: {  	[sflag:s10] =	ssyncset.done $0x0  }
0x30: {  	[sflag:s10] =	ssyncadd.s32 $0xFFFFD880  }
0x31: {  	s30 =	simm.s32 $0x0;
	[bflag:$0x0] =	sbarrier.arrive $0xFFFF  }
0x32: {  	[tilespmem:s13], [sflag:$0x1] =	stream.indirect.gather [hbm4b:s1+s12], $0x80, s30, s12, $0xb8;
	[tilespmem:$0x1D800] =	vst v63  }
0x33: {  	_ =	swait.ge [sflag:s14], $0x4000  }
0x34: {  	[sflag:s14] =	ssyncset.done $0x0  }
0x35: {  	s31 =	simm.s32 $0x2800;
	[sflag:s14] =	ssyncadd.s32 $0xFFFFC000  }
0x36: {  	[spmem:s3] =	stream.indirect.scatter.add.f32 [tilespmem:s13], [sflag:$0x2], $0x80, s31, s12, $0xb8;
	[tilespmem:$0x1D800] =	vst v63  }
0x37: {  	_ =	swait.ge [sflag:s10], $0x4000  }
0x38: {  	s19 =	simm.s32 $0x400;
	s18 =	simm.s32 $0x200;
	[sflag:s10] =	ssyncset.done $0x0  }
.LBB2_6:
0x39: {  	s20 =	sshra.s32 s18, $0x2  }
0x3a: {  	[sflag:s10] =	ssyncadd.s32 $0xFFFFC000;
	s18 =	smov.u32 s19;
	s21 =	sadd.s32 $0x200, s19  }
0x3b: {  	[tilespmem:s13], [sflag:$0x1] =	stream.indirect.gather [hbm4b:s1+s12], $0x80, s20, s12, $0xb8;
	[tilespmem:$0x1D800] =	vst v63  }
0x3c: {  	p0 =	sne.s32 s19, $0x9C00;
	_ =	swait.ge [sflag:s14], $0x4000  }
.Ltmp2:
0x3d: {  	[sflag:s14] =	ssyncset.done $0x0;
	(pc) =	sbr.rel @p0 .LBB2_6-.Ltmp2, $4  }
0x3e: {  	s19 =	sadd.s32 $0x2800, s20;
	[sflag:s14] =	ssyncadd.s32 $0xFFFFC000  }
0x3f: {  	[spmem:s3] =	stream.indirect.scatter.add.f32 [tilespmem:s13], [sflag:$0x2], $0x80, s19, s12, $0xb8;
	[tilespmem:$0x1D800] =	vst v63  }
0x40: {  	_ =	swait.ge [sflag:s10], $0x4000  }
0x41: {  	s19 =	smov.u32 s21;
	[sflag:s10] =	ssyncset.done $0x0  }
0x42: {  	s18 =	sshra.s32 s18, $0x2;
	[sflag:s10] =	ssyncadd.s32 $0xFFFFC000  }
0x43: {  	[tilespmem:s13], [sflag:$0x1] =	stream.indirect.gather [hbm4b:s1+s12], $0x80, s18, s12, $0xb8;
	[tilespmem:$0x1D800] =	vst v63  }
0x44: {  	_ =	swait.ge [sflag:s14], $0x4000  }
0x45: {  	[sflag:s14] =	ssyncset.done $0x0  }
0x46: {  	s18 =	sadd.s32 $0x2800, s18;
	[sflag:s14] =	ssyncadd.s32 $0xFFFFC000  }
0x47: {  	[spmem:s3] =	stream.indirect.scatter.add.f32 [tilespmem:s13], [sflag:$0x2], $0x80, s18, s12, $0xb8;
	[tilespmem:$0x1D800] =	vst v63  }
0x48: {  	_ =	swait.ge [sflag:s10], $0x4000  }
0x49: {  	s4 =	sadd.s32 $0x1, s4;
	[sflag:s10] =	ssyncset.done $0x0  }
0x4a: {  	p0 =	sne.s32 s4, s8;
	[sflag:s10] =	ssyncadd.s32 $0xFFFFC000  }
.Ltmp3:
0x4b: {  	[bflag:$0x0] =	sbarrier.arrive $0xFFFF;
	(pc) =	sbr.rel @p0 .LBB2_1-.Ltmp3, $4  }
0x4c: {  	[hbm:s15], [sflag:s16] =	dma.local [spmem:s17], $0x2800  }
0x4d: {  	_ =	swait.ge [sflag:s10], $0x2800  }
0x4e: {  	[sflag:s10] =	ssyncset.done $0x0  }
0x4f: {  	[sflag:s10] =	ssyncadd.s32 $0xFFFFD800  }
0x50: {  	_ =	sfence.sel $0x180000  }
0x51: {  	[bflag:$0x0] =	sbarrier.arrive $0xFFFF  }
0x52: {  	p0 =	sne.s32 s0, $0x0;
	_ =	strace $0x9000004D  }
0x53: {  	s0 =	sadd.s32 @!p0 $0x100000, s2;
	[bflag:$0x2] =	sbarrier.arrive $0xFFFF  }
0x54: {  	[sflag:s0] =	ssyncadd.tile.s32 @!p0 $0x1;
	_ =	shalt  }
.Lfunc_end2:
_tile_overlayer_lowered:
.L_overlay_start_2:
0x55: {  	(tag) =	ssettag $0x2  }
0x56: {  	s0 =	rddreg [dreg:$0x0];
	s2 =	stileid.u32  }
0x57: {  	s1 =	rddreg [dreg:$0x1];
	p0 =	sne.s32 s2, $0x0  }
0x58: {  	s3 =	rddreg [dreg:$0x2];
	[bflag:$0x3] =	sbarrier.arrive $0xFFFF;
	s2 =	simm.s32 @!p0 $0x1C02  }
0x59: {  	[timem:s3], [sflag:s2] =	dma.local @!p0 [hbm:s0], s1  }
0x5a: {  	s0 =	simm.s32 @!p0 $0x2  }
0x5b: {  	_ =	swait.ge @!p0 [sflag:s0], s1  }
0x5c: {  	s1 =	ssub.s32 @!p0 $0x0, s1;
	[sflag:s0] =	ssyncset.done @!p0 $0x0  }
0x5d: {  	[sflag:s0] =	ssyncadd.s32 @!p0 s1  }
0x5e: {  	[bflag:$0x3] =	sbarrier.arrive $0xFFFF  }
0x5f: {  	_ =	shalt  }

// kernel: kernel.9.cloned.1.call-start
scs
__scs_entry_jumppad:
0x0: {  	(pc) =	sbr.rel $0x88, $3  }
0x1: {  	(tag) =	ssettag $0x0;
	lr =	simm.s32 $0x1  }
0x2: {  	[smem:$0x3F99] =	sst lr;
	_ =	strace $0xD0000000  }
0x3: {  	_ = 	snop  }
0x4: {  	_ = 	snop  }
0x5: {  	_ = 	snop  }
0x6: {  	_ = 	snop  }
0x7: {  	_ = 	snop  }
__scs_overlays_trampoline_lowered:
0x8: {  	[smem:$0x3FA8] =	sst s0  }
0x9: {  	[smem:$0x3FA9] =	sst s1  }
0xa: {  	[smem:$0x3FAA] =	sst s2  }
0xb: {  	[smem:$0x3FAB] =	sst s3  }
0xc: {  	[smem:$0x3FAC] =	sst s4  }
0xd: {  	[smem:$0x3FAD] =	sst s5  }
0xe: {  	[smem:$0x3FAE] =	sst s6  }
0xf: {  	[smem:$0x3FAF] =	sst s7  }
0x10: {  	[smem:$0x3FB0] =	sst s8  }
0x11: {  	[smem:$0x3FB1] =	sst s9;
	s0 =	simm.s32 @!p0 $0x0  }
0x12: {  	s1 =	sld [smem:$0x3F97];
	s0 =	simm.s32 @p0 $0x1  }
0x13: {  	[smem:$0x3FB2] =	sst s0;
	s0 =	simm.s32 @!p1 $0x0  }
0x14: {  	s2 =	sld [smem:$0x3F96];
	s0 =	simm.s32 @p1 $0x1  }
0x15: {  	[smem:$0x3FB3] =	sst s0;
	s0 =	simm.s32 @!p2 $0x0  }
0x16: {  	s3 =	sld [smem:$0x3FDB];
	s0 =	simm.s32 @p2 $0x1  }
0x17: {  	s4 =	simm.s32 $0x1BF5;
	[smem:$0x3FB5] =	sst s0  }
0x18: {  	s0 =	sld [smem:$0x3F98];
	_ =	swait.ge [sflag:s4], $0x0  }
0x19: {  	s7 =	sld [smem:$0x3F99]  }
0x1a: {  	s8 =	sadd.s32 $0xFFFFE003, lr  }
0x1b: {  	s9 =	sadd.s32 $0xFFFFFEF7, lr;
	s5 =	simm.s32 $0xFFFFFFFF;
	p2 =	slt.u32 s8, $0xFFFFF086  }
0x1c: {  	p1 =	slt.u32 s9, $0xF7A;
	s5 =	simm.s32 @!p2 $0x0  }
0x1d: {  	s5 =	simm.s32 @p1 $0x1;
	p0 =	seq.s32 s7, s2  }
0x1e: {  	s7 =	smul.u32 @!p0 $0xF7A, s2;
	p2 =	seq.s32 @!p0 s5, $0x0  }
0x1f: {  	s9 =	smul.u32 $0xF7A, s1;
	s8 =	simm.s32 @!p0 $0x1BF5;
	p2 =	por !p2, p0  }
0x20: {  	[sflag:s8] =	ssyncset.s32 @!p0 $0xFFFFF086;
	s6 =	sadd.s32 @!p0 s3, s7;
	s7 =	simm.s32 @!p0 $0x108  }
0x21: {  	s3 =	sadd.s32 s3, s9;
	s6 =	sadd.s32 @!p0 $0x88, s6;
	s7 =	simm.s32 @p2 $0x1082  }
0x22: {  	[simem:s7], [sflag:s8] =	dma.local @!p0 [hbm:s6], $0xF7A  }
0x23: {  	s9 =	sor.u32 $0xD0000000, s2;
	s6 =	simm.s32 $0x108;
	_ =	swait.ge @!p0 [sflag:s8], $0x0  }
0x24: {  	s3 =	sadd.s32 $0x88, s3;
	s6 =	simm.s32 @!p1 $0x1082;
	[sflag:s4] =	ssyncset.s32 $0xFFFFF086  }
0x25: {  	[simem:s6], [sflag:s4] =	dma.local [hbm:s3], $0xF7A  }
0x26: {  	[smem:$0x3F99] =	sst s1;
	(tag) =	ssettag s2;
	_ =	strace s9  }
0x27: {  	s1 =	sld [smem:$0x3FA9]  }
0x28: {  	s2 =	sld [smem:$0x3FAA]  }
0x29: {  	s4 =	sld [smem:$0x3FAC]  }
0x2a: {  	p0 =	seq.s32 s5, $0x0;
	s5 =	sld [smem:$0x3FAD]  }
0x2b: {  	s6 =	sld [smem:$0x3FAE]  }
0x2c: {  	s7 =	sld [smem:$0x3FAF]  }
0x2d: {  	s3 =	simm.s32 $0x108;
	s8 =	sld [smem:$0x3FB0]  }
0x2e: {  	s3 =	simm.s32 @!p0 $0x1082;
	s9 =	sld [smem:$0x3FB1]  }
0x2f: {  	lr =	sadd.s32 s0, s3;
	s0 =	sld [smem:$0x3FA8]  }
0x30: {  	s3 =	sld [smem:$0x3FAB]  }
0x31: {  	[smem:$0x3FB4] =	sst s10  }
0x32: {  	s10 =	sld [smem:$0x3FB2];
	_ =	sdelay $0x3  }
0x33: {  	p0 =	seq.s32 s10, $0x1;
	s10 =	sld [smem:$0x3FB4];
	_ =	sdelay $0x3  }
0x34: {  	[smem:$0x3FB4] =	sst s10  }
0x35: {  	s10 =	sld [smem:$0x3FB3];
	_ =	sdelay $0x3  }
0x36: {  	p1 =	seq.s32 s10, $0x1;
	s10 =	sld [smem:$0x3FB4];
	_ =	sdelay $0x3  }
0x37: {  	[smem:$0x3FB4] =	sst s10  }
0x38: {  	s10 =	sld [smem:$0x3FB5]  }
0x39: {  	_ = 	snop;
	(pc) =	sbr.ind lr, $3  }
0x3a: {  	_ = 	snop  }
0x3b: {  	_ = 	snop  }
0x3c: {  	p2 =	seq.s32 s10, $0x1;
	s10 =	sld [smem:$0x3FB4]  }
0x3d: {  	_ =	shalt  }
0x3e: {  	_ =	shalt  }
0x3f: {  	_ =	shalt  }
0x40: {  	_ =	shalt  }
0x41: {  	_ =	shalt  }
0x42: {  	_ =	shalt  }
0x43: {  	_ =	shalt  }
0x44: {  	_ =	shalt  }
0x45: {  	_ =	shalt  }
0x46: {  	_ =	shalt  }
0x47: {  	_ =	shalt  }
0x48: {  	_ =	shalt  }
0x49: {  	_ =	shalt  }
0x4a: {  	_ =	shalt  }
0x4b: {  	_ =	shalt  }
0x4c: {  	_ =	shalt  }
0x4d: {  	_ =	shalt  }
0x4e: {  	_ =	shalt  }
0x4f: {  	_ =	shalt  }
0x50: {  	_ =	shalt  }
0x51: {  	_ =	shalt  }
0x52: {  	_ =	shalt  }
0x53: {  	_ =	shalt  }
0x54: {  	_ =	shalt  }
0x55: {  	_ =	shalt  }
0x56: {  	_ =	shalt  }
0x57: {  	_ =	shalt  }
0x58: {  	_ =	shalt  }
0x59: {  	_ =	shalt  }
0x5a: {  	_ =	shalt  }
0x5b: {  	_ =	shalt  }
0x5c: {  	_ =	shalt  }
0x5d: {  	_ =	shalt  }
0x5e: {  	_ =	shalt  }
0x5f: {  	_ =	shalt  }
0x60: {  	_ =	shalt  }
0x61: {  	_ =	shalt  }
0x62: {  	_ =	shalt  }
0x63: {  	_ =	shalt  }
0x64: {  	_ =	shalt  }
0x65: {  	_ =	shalt  }
0x66: {  	_ =	shalt  }
0x67: {  	_ =	shalt  }
0x68: {  	_ =	shalt  }
0x69: {  	_ =	shalt  }
0x6a: {  	_ =	shalt  }
0x6b: {  	_ =	shalt  }
0x6c: {  	_ =	shalt  }
0x6d: {  	_ =	shalt  }
0x6e: {  	_ =	shalt  }
0x6f: {  	_ =	shalt  }
0x70: {  	_ =	shalt  }
0x71: {  	_ =	shalt  }
0x72: {  	_ =	shalt  }
0x73: {  	_ =	shalt  }
0x74: {  	_ =	shalt  }
0x75: {  	_ =	shalt  }
0x76: {  	_ =	shalt  }
0x77: {  	_ =	shalt  }
0x78: {  	_ =	shalt  }
0x79: {  	_ =	shalt  }
0x7a: {  	_ =	shalt  }
0x7b: {  	_ =	shalt  }
0x7c: {  	_ =	shalt  }
0x7d: {  	_ =	shalt  }
0x7e: {  	_ =	shalt  }
0x7f: {  	_ =	shalt  }
0x80: {  	_ =	shalt  }
0x81: {  	_ =	shalt  }
0x82: {  	_ =	shalt  }
0x83: {  	_ =	shalt  }
0x84: {  	_ =	shalt  }
0x85: {  	_ =	shalt  }
0x86: {  	_ =	shalt  }
0x87: {  	_ =	shalt  }
.Lfunc_end0:
.L_simem_size_0:
called_computation_lowered:
.L_overlay_start_0:
0x88: {  	s2 =	sld [smem:$0x3FD9]  }
0x89: {  	s3 =	sld [smem:$0x3FFE];
	_ =	sdelay $0x1  }
0x8a: {  	s1 =	srdreg.scid  }
0x8b: {  	s0 =	sand.u32 $0x1, s1  }
0x8c: {  	s16 =	sshll.u32 s0, $0xA;
	s2 =	sadd.s32 s3, s2  }
0x8d: {  	s2 =	sadd.s32 s2, s16  }
0x8e: {  	[smem:$0x3FC0] =	sst s2  }
0x8f: {  	_ = 	snop  }
0x90: {  	(tm) =	ssettm $0x1  }
0x91: {  	s17 =	sld [smem:$0x3FFB];
	_ =	sdelay $0x3  }
0x92: {  	_ =	strace s17  }
0x93: {  	s2 =	sld [smem:$0x3FFC];
	_ =	sdelay $0x3  }
0x94: {  	_ =	strace s2  }
0x95: {  	s2 =	sld [smem:$0x3FFD];
	_ =	sdelay $0x3  }
0x96: {  	_ =	strace s2  }
0x97: {  	_ =	strace $0x8FFFFFFF  }
0x98: {  	s18 =	sld [smem:$0x3FDB];
	_ =	sdelay $0x1  }
0x99: {  	s19 =	simm.s32 $_scs_section_size  }
0x9a: {  	s4 =	simm.s32 $_size__tile_overlayer_lowered;
	s5 =	simm.s32 $_tile_overlayer_lowered  }
0x9b: {  	s22 =	simm.s32 $0x1BFF;
	s21 =	sshll.u32 s5, $0x1;
	s2 =	sadd.s32 s19, s18  }
0x9c: {  	s6 =	simm.s32 $0x0;
	s20 =	sshll.u32 s4, $0x1;
	s4 =	sadd.s32 s21, s2  }
0x9d: {  	[timem:s6], [sflag:s22] =	dma.local [hbm:s4], s20  }
0x9e: {  	_ =	swait.ge [sflag:s22], s20  }
0x9f: {  	s3 =	ssub.s32 $0x0, s20;
	[sflag:s22] =	ssyncset.done $0x0  }
0xa0: {  	[sflag:s22] =	ssyncadd.s32 s3;
	_ =	sdelay $0x1  }
0xa1: {  	s23 =	simm.s32 $0x1B8B  }
0xa2: {  	_ =	swait.ge [sflag:s23], $0x1  }
0xa3: {  	[sflag:s23] =	ssyncset.done $0x0  }
0xa4: {  	s25 =	simm.s32 $0x1B8E;
	s24 =	sld [smem:$0x3FFE];
	[sflag:s23] =	ssyncadd.s32 $0xFFFFFFFF  }
0xa5: {  	s26 =	simm.s32 $execute0_lowered;
	[smem:$0x3FD2] =	sst s25  }
0xa6: {  	s4 =	sshll.u32 s26, $0x1;
	_ =	strace $0x80000046;
	[dreg:$0x1] =	wrdreg $0xFFFFFFFF  }
0xa7: {  	s28 =	simm.s32 $_size_execute0_lowered;
	s2 =	sadd.s32 s2, s4;
	[dreg:$0x0] =	wrdreg $0x0  }
0xa8: {  	s4 =	sshll.u32 s28, $0x1;
	[dreg:$0x2] =	wrdreg s2  }
0xa9: {  	[dreg:$0x3] =	wrdreg s4  }
0xaa: {  	[dreg:$0x4] =	wrdreg $0xC0  }
0xab: {  	_ =	task [dreg:s6], $0x5FFFF  }
0xac: {  	[dreg:$0x1] =	wrdreg $0xFFFFFFFF  }
0xad: {  	[dreg:$0x0] =	wrdreg $0x60  }
0xae: {  	[dreg:$0x2] =	wrdreg s24  }
0xaf: {  	[dreg:$0x3] =	wrdreg $0x70000  }
0xb0: {  	[dreg:$0x4] =	wrdreg $0x9  }
0xb1: {  	_ =	task.clear_ibuf [dreg:s6], $0x5FFFF;
	_ =	strace $0x90000046  }
0xb2: {  	s29 =	simm.s32 $0x9;
	_ =	strace $0x80000048  }
0xb3: {  	_ =	swait.ge [sflag:s29], $0x1  }
0xb4: {  	[sflag:s29] =	ssyncadd.s32 $0xFFFFFFFF  }
0xb5: {  	_ =	strace $0x90000048  }
0xb6: {  	_ =	sfence  }
0xb7: {  	s30 =	sld [smem:$0x0];
	_ =	sdelay $0x2  }
0xb8: {  	s31 =	sshll.u32 s1, $0xD;
	s1 =	sshrl.u32 s1, $0x2  }
0xb9: {  	s3 =	sand.u32 $0x4000, s31;
	s1 =	sadd.s32 s1, s30  }
0xba: {  	s0 =	sor.u32 s3, s0;
	s1 =	sshll.u32 s1, $0x11  }
0xbb: {  	s0 =	sor.u32 s1, s0  }
0xbc: {  	s0 =	sadd.s32 $0x8F2B, s0  }
0xbd: {  	[sflag:s0] =	ssyncadd.remote.s32 $0x1  }
0xbe: {  	_ =	sfence.sel $0xFFFF  }
0xbf: {  	[dreg:$0x0] =	wrdreg $0xFFFFFFFF;
	(pc) =	sbr.abs _section_cstart, $3  }
0xc0: {  	[dreg:$0x1] =	wrdreg $0xFFFFFFFF  }
0xc1: {  	_ =	task.clear_ibuf [dreg:s6], $0x2FFFF;
	_ =	strace $0x9FFFFFFF  }
0xc2: {  	(tm) =	ssettm $0x7FFFFFFF  }
0xc3: {  	_ =	shalt  }
tec
execute0_lowered:
.L_overlay_start_1:
0x0: {  	(tag) =	ssettag $0x1  }
0x1: {  	s5 =	rddreg [dreg:$0x0]  }
0x2: {  	s0 =	srdreg.scid;
	s2 =	rddreg [dreg:$0x1]  }
0x3: {  	s3 =	simm.s32 $0x0;
	s4 =	sand.u32 $0x1, s0;
	s0 =	stileid.u32  }
0x4: {  	s10 =	simm.s32 $0x2800;
	[smem:$0x7FF] =	sst s3;
	s7 =	smul.u32 $0x50000, s0  }
0x5: {  	s1 =	sshll.u32 s4, $0x4;
	s8 =	smul.u32 $0x28000, s4;
	s4 =	ssub.s32 $0x2, s4  }
0x6: {  	s12 =	smul.u32 $0x2800, s0;
	s13 =	sshll.u32 s0, $0x6;
	s6 =	sor.u32 s0, s1  }
0x7: {  	s1 =	rddreg [dreg:$0x2];
	_ =	strace $0x80000047;
	s9 =	sshrl.u32 s4, $0x1  }
0x8: {  	s6 =	smul.u32 $0x500, s6;
	s7 =	sshrl.u32 s7, $0x2;
	s8 =	sadd.s32 s8, s5  }
0x9: {  	s9 =	ssub.s32 s4, s9;
	s4 =	sadd.s32 s7, s2;
	s11 =	sadd.s32 $0xCA00, s8  }
0xa: {  	s7 =	simm.s32 $0x6800;
	s8 =	simm.s32 $0x1;
	s6 =	sadd.s32 s6, s5  }
0xb: {  	s11 =	sadd.s32 s12, s11;
	s12 =	sor.u32 $0x1C01, s13;
	s13 =	sshrl.u32 s4, $0x3  }
0xc: {  	v0 =	vimm.f32 $1.000000000e+00;
	v1 =	vimm.f32 $0.0e+00;
	s5 =	sadd.s32 $0x2A00, s6;
	s6 =	smax.u32 s9, $0x1;
	s9 =	simm.s32 $0x80  }
.LBB2_1:
0xd: {  	s14 =	simm.s32 $0x0;
	s15 =	simm.s32 $0x200  }
.LBB2_2:
0xe: {  	p0 =	sne.s32 s15, $0xFE00;
	[tilespmem:s14+$0x2870] =	vst v0  }
0xf: {  	[tilespmem:s14+$0x2800] =	vst v0  }
0x10: {  	[tilespmem:s14+$0x2810] =	vst v0  }
.Ltmp0:
0x11: {  	[tilespmem:s14+$0x2820] =	vst v0;
	(pc) =	sbr.rel @p0 .LBB2_2-.Ltmp0, $4  }
0x12: {  	[tilespmem:s14+$0x2830] =	vst v0  }
0x13: {  	[tilespmem:s14+$0x2840] =	vst v0  }
0x14: {  	[tilespmem:s14+$0x2850] =	vst v0  }
0x15: {  	[tilespmem:s14+$0x2860] =	vst v0;
	s14 =	sshra.s32 s15, $0x2;
	s15 =	sadd.s32 $0x200, s15  }
0x16: {  	[tilespmem:s14+$0x2870] =	vst v0  }
0x17: {  	[tilespmem:s14+$0x2800] =	vst v0  }
0x18: {  	[tilespmem:s14+$0x2810] =	vst v0  }
0x19: {  	[tilespmem:s14+$0x2820] =	vst v0  }
0x1a: {  	[tilespmem:s14+$0x2830] =	vst v0  }
0x1b: {  	[tilespmem:s14+$0x2840] =	vst v0  }
0x1c: {  	[tilespmem:s14+$0x2850] =	vst v0  }
0x1d: {  	[tilespmem:s14+$0x2860] =	vst v0;
	s14 =	simm.s32 $0x0;
	s15 =	simm.s32 $0x200  }
.LBB2_4:
0x1e: {  	p0 =	sne.s32 s15, $0x1E00;
	[tilespmem:s14+$0x6870] =	vst v1  }
0x1f: {  	[tilespmem:s14+$0x6800] =	vst v1  }
0x20: {  	[tilespmem:s14+$0x6810] =	vst v1  }
.Ltmp1:
0x21: {  	[tilespmem:s14+$0x6820] =	vst v1;
	(pc) =	sbr.rel @p0 .LBB2_4-.Ltmp1, $4  }
0x22: {  	[tilespmem:s14+$0x6830] =	vst v1  }
0x23: {  	[tilespmem:s14+$0x6840] =	vst v1  }
0x24: {  	[tilespmem:s14+$0x6850] =	vst v1  }
0x25: {  	[tilespmem:s14+$0x6860] =	vst v1;
	s14 =	sshra.s32 s15, $0x2;
	s15 =	sadd.s32 $0x200, s15  }
0x26: {  	[tilespmem:s14+$0x6870] =	vst v1  }
0x27: {  	[tilespmem:s14+$0x6800] =	vst v1  }
0x28: {  	[tilespmem:s14+$0x6810] =	vst v1  }
0x29: {  	[tilespmem:s14+$0x6820] =	vst v1  }
0x2a: {  	[tilespmem:s14+$0x6830] =	vst v1  }
0x2b: {  	[tilespmem:s14+$0x6840] =	vst v1  }
0x2c: {  	[tilespmem:s14+$0x6850] =	vst v1  }
0x2d: {  	[tilespmem:s14+$0x6860] =	vst v1;
	s31 =	sadd.s32 $0x0, s4  }
0x2e: {  	[spmem:s31] =	stream.linear.scatter [tilespmem:s7], [sflag:$0x1], $0x800, $0x38;
	[tilespmem:$0x1B000] =	vst v63  }
0x2f: {  	s14 =	simm.s32 $0x2000;
	_ =	swait.ge [sflag:s8], $0x800  }
.LBB2_6:
0x30: {  	s15 =	sshra.s32 s14, $0x2;
	[sflag:s8] =	ssyncset.done $0x0;
	p0 =	sne.s32 s14, $0x4E000  }
.Ltmp2:
0x31: {  	s15 =	sadd.s32 s15, s4;
	[sflag:s8] =	ssyncadd.s32 $0xFFFFF800;
	(pc) =	sbr.rel @p0 .LBB2_6-.Ltmp2, $3  }
0x32: {  	[spmem:s15] =	stream.linear.scatter [tilespmem:s7], [sflag:$0x1], $0x800, $0x38;
	[tilespmem:$0x1B000] =	vst v63  }
0x33: {  	s14 =	sadd.s32 $0x2000, s14;
	_ =	sdelay $0x1  }
0x34: {  	_ =	swait.ge [sflag:s8], $0x800  }
0x35: {  	[sflag:s8] =	ssyncset.done $0x0  }
0x36: {  	s14 =	simm.s32 $0x0;
	[sflag:s8] =	ssyncadd.s32 $0xFFFFF800  }
0x37: {  	[tilespmem:s14], [sflag:$0x1] =	stream.linear.gather [hbm4b:s5+s14], $0x2780, $0x38;
	[tilespmem:$0x1B000] =	vst v63  }
0x38: {  	_ =	swait.ge [sflag:s8], $0x2780  }
0x39: {  	[sflag:s8] =	ssyncset.done $0x0  }
0x3a: {  	[sflag:s8] =	ssyncadd.s32 $0xFFFFD880  }
0x3b: {  	s31 =	simm.s32 $0x0;
	[bflag:$0x0] =	sbarrier.arrive $0xFFFF  }
0x3c: {  	[spmem:s2] =	stream.indirect.scatter.add.f32 [tilespmem:s10], [sflag:$0x1], $0x80, s31, s9, $0xb8;
	[tilespmem:$0x1B000] =	vst v63  }
0x3d: {  	_ =	swait.ge [sflag:s8], $0x4000  }
0x3e: {  	s14 =	simm.s32 $0x200;
	[sflag:s8] =	ssyncset.done $0x0  }
.LBB2_8:
0x3f: {  	s15 =	sshra.s32 s14, $0x2;
	[sflag:s8] =	ssyncadd.s32 $0xFFFFC000;
	p0 =	sne.s32 s14, $0x9C00  }
0x40: {  	[spmem:s2] =	stream.indirect.scatter.add.f32 [tilespmem:s10], [sflag:$0x1], $0x80, s15, s9, $0xb8;
	[tilespmem:$0x1B000] =	vst v63  }
.Ltmp3:
0x41: {  	_ = 	snop;
	(pc) =	sbr.rel @p0 .LBB2_8-.Ltmp3, $4  }
0x42: {  	_ = 	snop  }
0x43: {  	s14 =	sadd.s32 $0x200, s14  }
0x44: {  	_ =	swait.ge [sflag:s8], $0x4000  }
0x45: {  	[sflag:s8] =	ssyncset.done $0x0  }
0x46: {  	s3 =	sadd.s32 $0x1, s3  }
0x47: {  	[sflag:s8] =	ssyncadd.s32 $0xFFFFC000;
	p0 =	sne.s32 s3, s6  }
.Ltmp4:
0x48: {  	[bflag:$0x0] =	sbarrier.arrive $0xFFFF;
	(pc) =	sbr.rel @p0 .LBB2_1-.Ltmp4, $4  }
0x49: {  	[hbm:s11], [sflag:s12] =	dma.local [spmem:s13], $0x2800  }
0x4a: {  	_ =	swait.ge [sflag:s8], $0x2800  }
0x4b: {  	[sflag:s8] =	ssyncset.done $0x0  }
0x4c: {  	[sflag:s8] =	ssyncadd.s32 $0xFFFFD800  }
0x4d: {  	_ =	sfence.sel $0x180000  }
0x4e: {  	[bflag:$0x0] =	sbarrier.arrive $0xFFFF  }
0x4f: {  	p0 =	sne.s32 s0, $0x0;
	_ =	strace $0x90000047  }
0x50: {  	s0 =	sadd.s32 @!p0 $0x100000, s1;
	[bflag:$0x2] =	sbarrier.arrive $0xFFFF  }
0x51: {  	[sflag:s0] =	ssyncadd.tile.s32 @!p0 $0x1;
	_ =	shalt  }
.Lfunc_end2:
_tile_overlayer_lowered:
.L_overlay_start_2:
0x52: {  	(tag) =	ssettag $0x2  }
0x53: {  	s0 =	rddreg [dreg:$0x0];
	s2 =	stileid.u32  }
0x54: {  	s1 =	rddreg [dreg:$0x1];
	p0 =	sne.s32 s2, $0x0  }
0x55: {  	s3 =	rddreg [dreg:$0x2];
	[bflag:$0x3] =	sbarrier.arrive $0xFFFF;
	s2 =	simm.s32 @!p0 $0x1C01  }
0x56: {  	[timem:s3], [sflag:s2] =	dma.local @!p0 [hbm:s0], s1  }
0x57: {  	s0 =	simm.s32 @!p0 $0x1  }
0x58: {  	_ =	swait.ge @!p0 [sflag:s0], s1  }
0x59: {  	s1 =	ssub.s32 @!p0 $0x0, s1;
	[sflag:s0] =	ssyncset.done @!p0 $0x0  }
0x5a: {  	[sflag:s0] =	ssyncadd.s32 @!p0 s1  }
0x5b: {  	[bflag:$0x3] =	sbarrier.arrive $0xFFFF  }
0x5c: {  	_ =	shalt  }

</sc_bundles>
